<compile_context>
chip_gen: v7x
topology: tpu7x:2x2x1
jax: 0.10.2.dev20260603
libtpu: 0.0.44.dev20260713+nightly
codegen_flags: <defaults>
</compile_context>

<pallas_src>
import functools

import jax
import jax.numpy as jnp
from jax import lax
from jax.experimental import pallas as pl
from jax.experimental.pallas import tpu as pltpu
from jax.experimental.pallas import tpu_sc as plsc

N = 10000
D = 128
E = 320000

NC = 2
NSUB = 16
NW = NC * NSUB
ROWS_PER_SUB = 632
NPAD = NSUB * ROWS_PER_SUB
EDGES_PER_W = E // NW
CHUNK = 80
N_CHUNKS = EDGES_PER_W // CHUNK

RBLK = 1000
GRID = N // RBLK

NS_ITERS = 22
HIGH = lax.Precision.HIGHEST


def _mm(a, b):
    return lax.dot_general(a, b, (((1,), (0,)), ((), ())),
                           precision=HIGH, preferred_element_type=jnp.float32)


def _outer(p, q):
    return lax.dot_general(p, q, (((0,), (0,)), ((), ())),
                           precision=HIGH, preferred_element_type=jnp.float32)


def _stats_update(step, h, g_ref, ca_ref, bv_ref, br_ref):
    a = jnp.abs(h)
    cs = jnp.sum(a, axis=0, keepdims=True)
    rs = jnp.sum(a, axis=1, keepdims=True)
    g = lax.dot_general(h, h, (((0,), (0,)), ((), ())),
                        precision=HIGH, preferred_element_type=jnp.float32)
    m = jnp.max(rs)
    ridx = lax.broadcasted_iota(jnp.int32, (RBLK, 1), 0)
    am = jnp.min(jnp.where(rs == m, ridx, RBLK))
    rmask = (ridx == am).astype(jnp.float32)
    row = jnp.sum(h * rmask, axis=0, keepdims=True)

    @pl.when(step == 0)
    def _():
        g_ref[...] = g
        ca_ref[...] = cs
        bv_ref[...] = jnp.full((1, 1), m, jnp.float32)
        br_ref[...] = row

    @pl.when(step != 0)
    def _():
        g_ref[...] += g
        ca_ref[...] += cs
        prev = bv_ref[0, 0]
        better = m > prev
        bv_ref[...] = jnp.full((1, 1), jnp.where(better, m, prev), jnp.float32)
        br_ref[...] = jnp.where(better, row, br_ref[...])


def _encoder_body(x_ref, wt_ref, b_ref, h_ref, g_ref, ca_ref, bv_ref, br_ref):
    i = pl.program_id(0)
    h = _mm(x_ref[...], wt_ref[...]) + b_ref[...]
    h_ref[...] = h
    _stats_update(i, h, g_ref, ca_ref, bv_ref, br_ref)


def _conv_body(relu, parts_ref, degp_ref, h_ref, wlt_ref, wrt_ref, b_ref,
               o_ref, g_ref, ca_ref, bv_ref, br_ref):
    i = pl.program_id(0)
    aggsum = parts_ref[0] + parts_ref[1]
    deg = degp_ref[0, :, 0:1] + degp_ref[1, :, 0:1]
    agg = aggsum / jnp.maximum(deg, 1.0)
    o = _mm(agg, wlt_ref[...]) + _mm(h_ref[...], wrt_ref[...]) + b_ref[...]
    if relu:
        o = jnp.maximum(o, 0.0)
    o_ref[...] = o
    _stats_update(i, o, g_ref, ca_ref, bv_ref, br_ref)


_STATS_OUT = [
    jax.ShapeDtypeStruct((N, D), jnp.float32),
    jax.ShapeDtypeStruct((D, D), jnp.float32),
    jax.ShapeDtypeStruct((1, D), jnp.float32),
    jax.ShapeDtypeStruct((1, 1), jnp.float32),
    jax.ShapeDtypeStruct((1, D), jnp.float32),
]
_STATS_SPECS = [
    pl.BlockSpec((RBLK, D), lambda i: (i, 0)),
    pl.BlockSpec((D, D), lambda i: (0, 0)),
    pl.BlockSpec((1, D), lambda i: (0, 0)),
    pl.BlockSpec((1, 1), lambda i: (0, 0)),
    pl.BlockSpec((1, D), lambda i: (0, 0)),
]


def _encoder(x, wt, b):
    return pl.pallas_call(
        _encoder_body,
        grid=(GRID,),
        in_specs=[
            pl.BlockSpec((RBLK, D), lambda i: (i, 0)),
            pl.BlockSpec((D, D), lambda i: (0, 0)),
            pl.BlockSpec((1, D), lambda i: (0, 0)),
        ],
        out_specs=_STATS_SPECS,
        out_shape=_STATS_OUT,
    )(x, wt, b)


def _conv(parts, degp, h, wlt, wrt, b, relu):
    return pl.pallas_call(
        functools.partial(_conv_body, relu),
        grid=(GRID,),
        in_specs=[
            pl.BlockSpec((NC, RBLK, D), lambda i: (0, i, 0)),
            pl.BlockSpec((NC, RBLK, D), lambda i: (0, i, 0)),
            pl.BlockSpec((RBLK, D), lambda i: (i, 0)),
            pl.BlockSpec((D, D), lambda i: (0, 0)),
            pl.BlockSpec((D, D), lambda i: (0, 0)),
            pl.BlockSpec((1, D), lambda i: (0, 0)),
        ],
        out_specs=_STATS_SPECS,
        out_shape=_STATS_OUT,
    )(parts, degp, h, wlt, wrt, b)


def _tracesqrt(A, eye):
    t = jnp.maximum(jnp.sum(A * eye), 1e-30)
    y0 = A / t

    def step(_, yz):
        y, z = yz
        m = 3.0 * eye - _mm(z, y)
        return 0.5 * _mm(y, m), 0.5 * _mm(m, z)

    y, _ = lax.fori_loop(0, NS_ITERS, step, (y0, eye))
    return jnp.sqrt(t) * jnp.sum(y * eye)


def _rankdiff_body(g_ref, r_ref, ca_ref, s_ref):
    G = g_ref[...]
    eye = (lax.broadcasted_iota(jnp.int32, (D, D), 0)
           == lax.broadcasted_iota(jnp.int32, (D, D), 1)).astype(jnp.float32)
    n0 = _tracesqrt(G, eye)

    ca = ca_ref[...]
    jcol = lax.broadcasted_iota(jnp.int32, (1, D), 1)
    mj = jnp.max(ca)
    jidx = jnp.min(jnp.where(ca == mj, jcol, D))
    ej = (jcol == jidx).astype(jnp.float32)

    gj = _mm(ej, G)
    Gjj = jnp.sum(gj * ej)
    r = r_ref[...]
    rj = jnp.sum(r * ej)
    sign = jnp.where(rj < 0.0, -1.0, 1.0)
    v = sign * r * lax.rsqrt(jnp.sum(r * r))
    a = gj / (n0 * jnp.sqrt(Gjj))

    dtd = G / (n0 * n0) - _outer(a, v) - _outer(v, a) + _outer(v, v)
    s_ref[...] = jnp.full((1, 1), _tracesqrt(dtd, eye), jnp.float32)


def _rankdiff(G, r, ca):
    return pl.pallas_call(
        _rankdiff_body,
        out_shape=jax.ShapeDtypeStruct((1, 1), jnp.float32),
    )(G, r, ca)


_SC_MESH = plsc.VectorSubcoreMesh(core_axis_name="c", subcore_axis_name="s")
_SC_OUT = [jax.ShapeDtypeStruct((NC, NPAD, D), jnp.float32)]


@functools.partial(pl.kernel, mesh=_SC_MESH, out_type=_SC_OUT,
                   scratch_types=[
                       pltpu.VMEM((CHUNK,), jnp.int32),
                       pltpu.VMEM((CHUNK,), jnp.int32),
                       pltpu.VMEM((CHUNK, D), jnp.float32),
                       pltpu.VMEM_SHARED((NPAD, D), jnp.float32),
                       pltpu.SemaphoreType.DMA,
                   ])
def _edgepass(h_hbm, src_hbm, dst_hbm, z_hbm, out_hbm,
              srcv, dstv, rows, table, sem):
    c = lax.axis_index("c")
    s = lax.axis_index("s")
    wid = s * NC + c
    row0 = pl.multiple_of(s * ROWS_PER_SUB, 8)

    pltpu.sync_copy(z_hbm.at[pl.ds(row0, ROWS_PER_SUB)],
                    table.at[pl.ds(row0, ROWS_PER_SUB)])
    plsc.subcore_barrier()

    base = wid * EDGES_PER_W

    def body(j, carry):
        off = pl.multiple_of(base + j * CHUNK, 8)
        pltpu.sync_copy(src_hbm.at[pl.ds(off, CHUNK)], srcv)
        pltpu.sync_copy(dst_hbm.at[pl.ds(off, CHUNK)], dstv)
        pltpu.async_copy(h_hbm.at[srcv], rows, sem).wait()
        pltpu.sync_copy(rows, table.at[dstv], add=True)
        return carry

    lax.fori_loop(0, N_CHUNKS, body, 0)
    plsc.subcore_barrier()

    pltpu.sync_copy(table.at[pl.ds(row0, ROWS_PER_SUB)],
                    out_hbm.at[c, pl.ds(row0, ROWS_PER_SUB)])


@functools.partial(pl.kernel, mesh=_SC_MESH, out_type=_SC_OUT,
                   scratch_types=[
                       pltpu.VMEM((CHUNK,), jnp.int32),
                       pltpu.VMEM((CHUNK, D), jnp.float32),
                       pltpu.VMEM_SHARED((NPAD, D), jnp.float32),
                   ])
def _degpass(dst_hbm, z_hbm, ones_hbm, out_hbm, dstv, onesv, table):
    c = lax.axis_index("c")
    s = lax.axis_index("s")
    wid = s * NC + c
    row0 = pl.multiple_of(s * ROWS_PER_SUB, 8)

    pltpu.sync_copy(z_hbm.at[pl.ds(row0, ROWS_PER_SUB)],
                    table.at[pl.ds(row0, ROWS_PER_SUB)])
    pltpu.sync_copy(ones_hbm, onesv)
    plsc.subcore_barrier()

    base = wid * EDGES_PER_W

    def body(j, carry):
        off = pl.multiple_of(base + j * CHUNK, 8)
        pltpu.sync_copy(dst_hbm.at[pl.ds(off, CHUNK)], dstv)
        pltpu.sync_copy(onesv, table.at[dstv], add=True)
        return carry

    lax.fori_loop(0, N_CHUNKS, body, 0)
    plsc.subcore_barrier()

    pltpu.sync_copy(table.at[pl.ds(row0, ROWS_PER_SUB)],
                    out_hbm.at[c, pl.ds(row0, ROWS_PER_SUB)])


def kernel(x, edge_index, W_enc, b_enc, Wl0, Wr0, b0, Wl1, Wr1, b1):
    src_p = edge_index[0]
    dst_p = edge_index[1]
    zeros_t = jnp.zeros((NPAD, D), jnp.float32)
    ones_c = jnp.ones((CHUNK, D), jnp.float32)

    h0, G0, ca0, _, br0 = _encoder(x, W_enc.T, b_enc.reshape(1, D))
    s0 = _rankdiff(G0, br0, ca0)

    (degp,) = _degpass(dst_p, zeros_t, ones_c)
    (parts0,) = _edgepass(h0, src_p, dst_p, zeros_t)
    h1, G1, ca1, _, br1 = _conv(parts0, degp, h0, Wl0.T, Wr0.T,
                                b0.reshape(1, D), relu=True)
    s1 = _rankdiff(G1, br1, ca1)

    (parts1,) = _edgepass(h1, src_p, dst_p, zeros_t)
    h2, G2, ca2, _, br2 = _conv(parts1, degp, h1, Wl1.T, Wr1.T,
                                b1.reshape(1, D), relu=False)
    s2 = _rankdiff(G2, br2, ca2)

    return h2, jnp.stack([s0[0, 0], s1[0, 0], s2[0, 0]])

# --- scband reference (transcript-rebuilt; emitter-appended) ---
"""Pipeline reference for scband-simple-model-29059748725144 (READ-ONLY COPY).

The authoritative reference and input builder live on the scoring server;
editing this copy changes nothing except your own understanding.
"""

import jax, jax.numpy as jnp
import numpy as np

N_NODES = 10000
N_EDGES = 320000
IN_DIM = 128
H_DIM = 128
OUT_DIM = 128


def _nuc(m):
    return jnp.sum(jnp.linalg.svd(m, compute_uv=False))


def rank_diff(x):
    # faithful translation of the torch rank_diff (runs under no_grad in torch)
    x = jax.lax.stop_gradient(x)
    x = x / _nuc(x)
    i = jnp.argmax(jnp.abs(x).sum(axis=1))
    j = jnp.argmax(jnp.abs(x).sum(axis=0))
    mean0 = jnp.take(x, i, axis=0).reshape(1, -1)
    mean1 = jnp.take(x, j, axis=1).reshape(-1, 1)
    sign = jnp.where(mean0[0, j] < 0, -1.0, 1.0)
    mean0 = sign * mean0
    x_hat = mean1 @ mean0
    x_hat = x_hat / _nuc(x_hat)
    return _nuc(x - x_hat)


def sage_conv(x, src, dst, Wl, Wr, b, num_nodes):
    # PyG SAGEConv with mean aggregation and root weight:
    # out = lin_l(mean_{j->i} x_j) + lin_r(x_i) + bias
    msg = jnp.take(x, src, axis=0)
    agg_sum = jax.ops.segment_sum(msg, dst, num_segments=num_nodes)
    deg = jax.ops.segment_sum(jnp.ones((src.shape[0],), dtype=x.dtype), dst, num_segments=num_nodes)
    agg = agg_sum / jnp.clip(deg, 1.0, None)[:, None]
    return agg @ Wl.T + x @ Wr.T + b


def _uniform(key, shape, fan_in):
    s = 1.0 / np.sqrt(fan_in)
    return jax.random.uniform(key, shape, minval=-s, maxval=s, dtype=jnp.float32)


def setup_inputs(seed: int = 0):
    key = jax.random.key(seed)
    ks = jax.random.split(key, 12)
    x = jax.random.normal(ks[0], (N_NODES, IN_DIM), dtype=jnp.float32)
    edge_index = jax.random.randint(ks[1], (2, N_EDGES), 0, N_NODES, dtype=jnp.int32)
    W_enc = _uniform(ks[2], (H_DIM, IN_DIM), IN_DIM)
    b_enc = _uniform(ks[3], (H_DIM,), IN_DIM)
    Wl0 = _uniform(ks[4], (H_DIM, H_DIM), H_DIM)
    Wr0 = _uniform(ks[5], (H_DIM, H_DIM), H_DIM)
    b0 = _uniform(ks[6], (H_DIM,), H_DIM)
    Wl1 = _uniform(ks[7], (OUT_DIM, H_DIM), H_DIM)
    Wr1 = _uniform(ks[8], (OUT_DIM, H_DIM), H_DIM)
    b1 = _uniform(ks[9], (OUT_DIM,), H_DIM)
    return {"x": x, "edge_index": edge_index, "W_enc": W_enc, "b_enc": b_enc,
            "Wl0": Wl0, "Wr0": Wr0, "b0": b0, "Wl1": Wl1, "Wr1": Wr1, "b1": b1}


def reference(x, edge_index, W_enc, b_enc, Wl0, Wr0, b0, Wl1, Wr1, b1):
    src, dst = edge_index[0], edge_index[1]
    N = x.shape[0]
    h = x @ W_enc.T + b_enc
    s0 = rank_diff(h)
    h = sage_conv(h, src, dst, Wl0, Wr0, b0, N)
    h = jax.nn.relu(h)
    s1 = rank_diff(h)
    h = sage_conv(h, src, dst, Wl1, Wr1, b1, N)
    s2 = rank_diff(h)
    return h, jnp.stack([s0, s1, s2])

if __name__ == "__main__":
    import jax
    _d = setup_inputs()
    print(jax.jit(kernel)(*tuple(_d.values())))

</pallas_src>

<mosaic_0001>
#map = affine_map<(d0, d1) -> (0, 0)>
#map1 = affine_map<(d0, d1) -> (0)>
#map2 = affine_map<(d0, d1) -> (0, 0, 0)>
module attributes {stable_mosaic.version = 14 : i64} {
  func.func @_edgepass(%arg0: i32, %arg1: i32, %arg2: memref<10000x128xf32, #tpu.memory_space<hbm>>, %arg3: memref<320000xi32, #tpu.memory_space<hbm>>, %arg4: memref<320000xi32, #tpu.memory_space<hbm>>, %arg5: memref<10112x128xf32, #tpu.memory_space<hbm>>, %arg6: memref<2x10112x128xf32, #tpu.memory_space<hbm>>, %arg7: memref<80xi32, #tpu.memory_space<vmem>>, %arg8: memref<80xi32, #tpu.memory_space<vmem>>, %arg9: memref<80x128xf32, #tpu.memory_space<vmem>>, %arg10: memref<10112x128xf32, #tpu.memory_space<vmem_shared>>, %arg11: memref<!tpu.dma_semaphore, #tpu.memory_space<semaphore_mem>>) attributes {dimension_semantics = [#tpu.dimension_semantics<core_parallel>, #tpu.dimension_semantics<subcore_parallel>], iteration_bounds = array<i64: 2, 16>, scalar_prefetch = 0 : i64, scratch_operands = 5 : i64, tpu.core_type = #tpu.core_type<sc_vector_subcore>, window_params = [{transform_indices = #map}, {transform_indices = #map1}, {transform_indices = #map1}, {transform_indices = #map}, {transform_indices = #map2}]} {
    %mul3A = arith.constant 2 : i32
    %mul3A_0 = arith.muli %arg1, %mul3A : i32
    %add3A = arith.addi %mul3A_0, %arg0 : i32
    %mul3A_1 = arith.constant 632 : i32
    %mul3A_2 = arith.muli %arg1, %mul3A_1 : i32
    %multiple_of3A = tpu.assume_multiple %mul3A_2, 8 : i32
    "tpu.region"() ({
      %run_scoped3A = tpu.sem_alloc : memref<!tpu.dma_semaphore, #tpu.memory_space<semaphore_mem>>
      %dma_start3A = arith.constant 0 : i32
      %dma_start3A_11 = tpu.memref_slice %arg10[%multiple_of3A, %dma_start3A] : memref<10112x128xf32, #tpu.memory_space<vmem_shared>> -> memref<632x128xf32, #tpu.memory_space<vmem_shared>>
      %dma_start3A_12 = arith.constant 0 : i32
      %dma_start3A_13 = tpu.memref_slice %arg5[%multiple_of3A, %dma_start3A_12] : memref<10112x128xf32, #tpu.memory_space<hbm>> -> memref<632x128xf32, #tpu.memory_space<hbm>>
      tpu.enqueue_dma source(%dma_start3A_13 : memref<632x128xf32, #tpu.memory_space<hbm>>) target(%dma_start3A_11 : memref<632x128xf32, #tpu.memory_space<vmem_shared>>) target_semaphore(%run_scoped3A : memref<!tpu.dma_semaphore, #tpu.memory_space<semaphore_mem>>)
      %dma_wait3A = arith.constant 0 : i32
      %dma_wait3A_14 = tpu.memref_slice %arg10[%multiple_of3A, %dma_wait3A] : memref<10112x128xf32, #tpu.memory_space<vmem_shared>> -> memref<632x128xf32, #tpu.memory_space<vmem_shared>>
      %dma_wait3A_15 = arith.constant 0 : i32
      %dma_wait3A_16 = tpu.memref_slice %arg5[%multiple_of3A, %dma_wait3A_15] : memref<10112x128xf32, #tpu.memory_space<hbm>> -> memref<632x128xf32, #tpu.memory_space<hbm>>
      tpu.wait_dma2 semaphore(%run_scoped3A : memref<!tpu.dma_semaphore, #tpu.memory_space<semaphore_mem>>) src(%dma_wait3A_16 : memref<632x128xf32, #tpu.memory_space<hbm>>) dst(%dma_wait3A_14 : memref<632x128xf32, #tpu.memory_space<vmem_shared>>)
      tpu.yield
    }) : () -> ()
    %barrier3A = arith.constant 0 : index
    tpu.barrier barrier_id(%barrier3A)
    %mul3A_3 = arith.constant 10000 : i32
    %mul3A_4 = arith.muli %add3A, %mul3A_3 : i32
    %scan3A = arith.constant 0 : i32
    %scan3A_5 = arith.constant 0 : i32
    %scan3A_6 = arith.constant 125 : i32
    %scan3A_7 = arith.addi %scan3A_5, %scan3A_6 : i32
    %scan3A_8 = arith.constant 1 : i32
    scf.for %scan3A_11 = %scan3A_5 to %scan3A_7 step %scan3A_8  : i32 {
      %mul3A_12 = arith.constant 80 : i32
      %mul3A_13 = arith.muli %scan3A_11, %mul3A_12 : i32
      %add3A_14 = arith.addi %mul3A_4, %mul3A_13 : i32
      %multiple_of3A_15 = tpu.assume_multiple %add3A_14, 8 : i32
      "tpu.region"() ({
        %run_scoped3A = tpu.sem_alloc : memref<!tpu.dma_semaphore, #tpu.memory_space<semaphore_mem>>
        %dma_start3A_20 = tpu.memref_slice %arg3[%multiple_of3A_15] : memref<320000xi32, #tpu.memory_space<hbm>> -> memref<80xi32, #tpu.memory_space<hbm>>
        %dma_start3A_21 = tpu.memref_slice %arg3[%multiple_of3A_15] : memref<320000xi32, #tpu.memory_space<hbm>> -> memref<80xi32, #tpu.memory_space<hbm>>
        tpu.enqueue_dma source(%dma_start3A_21 : memref<80xi32, #tpu.memory_space<hbm>>) target(%arg7 : memref<80xi32, #tpu.memory_space<vmem>>) target_semaphore(%run_scoped3A : memref<!tpu.dma_semaphore, #tpu.memory_space<semaphore_mem>>)
        %dma_wait3A_22 = tpu.memref_slice %arg3[%multiple_of3A_15] : memref<320000xi32, #tpu.memory_space<hbm>> -> memref<80xi32, #tpu.memory_space<hbm>>
        %dma_wait3A_23 = tpu.memref_slice %arg3[%multiple_of3A_15] : memref<320000xi32, #tpu.memory_space<hbm>> -> memref<80xi32, #tpu.memory_space<hbm>>
        tpu.wait_dma2 semaphore(%run_scoped3A : memref<!tpu.dma_semaphore, #tpu.memory_space<semaphore_mem>>) src(%dma_wait3A_23 : memref<80xi32, #tpu.memory_space<hbm>>) dst(%arg7 : memref<80xi32, #tpu.memory_space<vmem>>)
        tpu.yield
      }) : () -> ()
      "tpu.region"() ({
        %run_scoped3A = tpu.sem_alloc : memref<!tpu.dma_semaphore, #tpu.memory_space<semaphore_mem>>
        %dma_start3A_20 = tpu.memref_slice %arg4[%multiple_of3A_15] : memref<320000xi32, #tpu.memory_space<hbm>> -> memref<80xi32, #tpu.memory_space<hbm>>
        %dma_start3A_21 = tpu.memref_slice %arg4[%multiple_of3A_15] : memref<320000xi32, #tpu.memory_space<hbm>> -> memref<80xi32, #tpu.memory_space<hbm>>
        tpu.enqueue_dma source(%dma_start3A_21 : memref<80xi32, #tpu.memory_space<hbm>>) target(%arg8 : memref<80xi32, #tpu.memory_space<vmem>>) target_semaphore(%run_scoped3A : memref<!tpu.dma_semaphore, #tpu.memory_space<semaphore_mem>>)
        %dma_wait3A_22 = tpu.memref_slice %arg4[%multiple_of3A_15] : memref<320000xi32, #tpu.memory_space<hbm>> -> memref<80xi32, #tpu.memory_space<hbm>>
        %dma_wait3A_23 = tpu.memref_slice %arg4[%multiple_of3A_15] : memref<320000xi32, #tpu.memory_space<hbm>> -> memref<80xi32, #tpu.memory_space<hbm>>
        tpu.wait_dma2 semaphore(%run_scoped3A : memref<!tpu.dma_semaphore, #tpu.memory_space<semaphore_mem>>) src(%dma_wait3A_23 : memref<80xi32, #tpu.memory_space<hbm>>) dst(%arg8 : memref<80xi32, #tpu.memory_space<vmem>>)
        tpu.yield
      }) : () -> ()
      %dma_start3A = arith.constant 0 : i32
      %dma_start3A_16 = arith.constant 0 : i32
      %dma_start3A_17 = tpu.memref_slice %arg2[%dma_start3A, %dma_start3A_16] : memref<10000x128xf32, #tpu.memory_space<hbm>> -> memref<10000x128xf32, #tpu.memory_space<hbm>>
      tpu.enqueue_indirect_dma source(%dma_start3A_17 : memref<10000x128xf32, #tpu.memory_space<hbm>>) target(%arg9 : memref<80x128xf32, #tpu.memory_space<vmem>>) offsets(%arg7 : memref<80xi32, #tpu.memory_space<vmem>>) semaphore(%arg11 : memref<!tpu.dma_semaphore, #tpu.memory_space<semaphore_mem>>)
      %dma_wait3A = arith.constant 0 : i32
      %dma_wait3A_18 = arith.constant 0 : i32
      %dma_wait3A_19 = tpu.memref_slice %arg2[%dma_wait3A, %dma_wait3A_18] : memref<10000x128xf32, #tpu.memory_space<hbm>> -> memref<10000x128xf32, #tpu.memory_space<hbm>>
      tpu.wait_indirect_dma semaphore(%arg11 : memref<!tpu.dma_semaphore, #tpu.memory_space<semaphore_mem>>) src(%dma_wait3A_19 : memref<10000x128xf32, #tpu.memory_space<hbm>>) dst(%arg9 : memref<80x128xf32, #tpu.memory_space<vmem>>)
      "tpu.region"() ({
        %run_scoped3A = tpu.sem_alloc : memref<!tpu.dma_semaphore, #tpu.memory_space<semaphore_mem>>
        %dma_start3A_20 = arith.constant 0 : i32
        %dma_start3A_21 = arith.constant 0 : i32
        %dma_start3A_22 = tpu.memref_slice %arg10[%dma_start3A_20, %dma_start3A_21] : memref<10112x128xf32, #tpu.memory_space<vmem_shared>> -> memref<10112x128xf32, #tpu.memory_space<vmem_shared>>
        tpu.enqueue_indirect_dma source(%arg9 : memref<80x128xf32, #tpu.memory_space<vmem>>) target(%dma_start3A_22 : memref<10112x128xf32, #tpu.memory_space<vmem_shared>>) offsets(%arg8 : memref<80xi32, #tpu.memory_space<vmem>>) semaphore(%run_scoped3A : memref<!tpu.dma_semaphore, #tpu.memory_space<semaphore_mem>>) {add = true}
        %dma_wait3A_23 = arith.constant 0 : i32
        %dma_wait3A_24 = arith.constant 0 : i32
        %dma_wait3A_25 = tpu.memref_slice %arg10[%dma_wait3A_23, %dma_wait3A_24] : memref<10112x128xf32, #tpu.memory_space<vmem_shared>> -> memref<10112x128xf32, #tpu.memory_space<vmem_shared>>
        tpu.wait_indirect_dma semaphore(%run_scoped3A : memref<!tpu.dma_semaphore, #tpu.memory_space<semaphore_mem>>) src(%arg9 : memref<80x128xf32, #tpu.memory_space<vmem>>) dst(%dma_wait3A_25 : memref<10112x128xf32, #tpu.memory_space<vmem_shared>>)
        tpu.yield
      }) : () -> ()
    }
    %scan3A_9 = arith.constant 125 : i32
    %barrier3A_10 = arith.constant 0 : index
    tpu.barrier barrier_id(%barrier3A_10)
    "tpu.region"() ({
      %run_scoped3A = tpu.sem_alloc : memref<!tpu.dma_semaphore, #tpu.memory_space<semaphore_mem>>
      %dma_start3A = arith.constant 0 : i32
      %dma_start3A_11 = tpu.memref_slice %arg6[%arg0, %multiple_of3A, %dma_start3A] : memref<2x10112x128xf32, #tpu.memory_space<hbm>> -> memref<1x632x128xf32, #tpu.memory_space<hbm>>
      %dma_start3A_12 = tpu.memref_squeeze %dma_start3A_11 : memref<1x632x128xf32, #tpu.memory_space<hbm>> -> memref<632x128xf32, #tpu.memory_space<hbm>>
      %dma_start3A_13 = arith.constant 0 : i32
      %dma_start3A_14 = tpu.memref_slice %arg10[%multiple_of3A, %dma_start3A_13] : memref<10112x128xf32, #tpu.memory_space<vmem_shared>> -> memref<632x128xf32, #tpu.memory_space<vmem_shared>>
      tpu.enqueue_dma source(%dma_start3A_14 : memref<632x128xf32, #tpu.memory_space<vmem_shared>>) target(%dma_start3A_12 : memref<632x128xf32, #tpu.memory_space<hbm>>) target_semaphore(%run_scoped3A : memref<!tpu.dma_semaphore, #tpu.memory_space<semaphore_mem>>)
      %dma_wait3A = arith.constant 0 : i32
      %dma_wait3A_15 = tpu.memref_slice %arg6[%arg0, %multiple_of3A, %dma_wait3A] : memref<2x10112x128xf32, #tpu.memory_space<hbm>> -> memref<1x632x128xf32, #tpu.memory_space<hbm>>
      %dma_wait3A_16 = tpu.memref_squeeze %dma_wait3A_15 : memref<1x632x128xf32, #tpu.memory_space<hbm>> -> memref<632x128xf32, #tpu.memory_space<hbm>>
      %dma_wait3A_17 = arith.constant 0 : i32
      %dma_wait3A_18 = tpu.memref_slice %arg10[%multiple_of3A, %dma_wait3A_17] : memref<10112x128xf32, #tpu.memory_space<vmem_shared>> -> memref<632x128xf32, #tpu.memory_space<vmem_shared>>
      tpu.wait_dma2 semaphore(%run_scoped3A : memref<!tpu.dma_semaphore, #tpu.memory_space<semaphore_mem>>) src(%dma_wait3A_18 : memref<632x128xf32, #tpu.memory_space<vmem_shared>>) dst(%dma_wait3A_16 : memref<632x128xf32, #tpu.memory_space<hbm>>)
      tpu.yield
    }) : () -> ()
    return
  }
}

#map = affine_map<(d0, d1) -> (0)>
#map1 = affine_map<(d0, d1) -> (0, 0)>
#map2 = affine_map<(d0, d1) -> (0, 0, 0)>
module attributes {stable_mosaic.version = 14 : i64} {
  func.func @_degpass(%arg0: i32, %arg1: i32, %arg2: memref<320000xi32, #tpu.memory_space<hbm>>, %arg3: memref<10112x128xf32, #tpu.memory_space<hbm>>, %arg4: memref<80x128xf32, #tpu.memory_space<hbm>>, %arg5: memref<2x10112x128xf32, #tpu.memory_space<hbm>>, %arg6: memref<80xi32, #tpu.memory_space<vmem>>, %arg7: memref<80x128xf32, #tpu.memory_space<vmem>>, %arg8: memref<10112x128xf32, #tpu.memory_space<vmem_shared>>) attributes {dimension_semantics = [#tpu.dimension_semantics<core_parallel>, #tpu.dimension_semantics<subcore_parallel>], iteration_bounds = array<i64: 2, 16>, scalar_prefetch = 0 : i64, scratch_operands = 3 : i64, tpu.core_type = #tpu.core_type<sc_vector_subcore>, window_params = [{transform_indices = #map}, {transform_indices = #map1}, {transform_indices = #map1}, {transform_indices = #map2}]} {
    %mul3A = arith.constant 2 : i32
    %mul3A_0 = arith.muli %arg1, %mul3A : i32
    %add3A = arith.addi %mul3A_0, %arg0 : i32
    %mul3A_1 = arith.constant 632 : i32
    %mul3A_2 = arith.muli %arg1, %mul3A_1 : i32
    %multiple_of3A = tpu.assume_multiple %mul3A_2, 8 : i32
    "tpu.region"() ({
      %run_scoped3A = tpu.sem_alloc : memref<!tpu.dma_semaphore, #tpu.memory_space<semaphore_mem>>
      %dma_start3A = arith.constant 0 : i32
      %dma_start3A_11 = tpu.memref_slice %arg8[%multiple_of3A, %dma_start3A] : memref<10112x128xf32, #tpu.memory_space<vmem_shared>> -> memref<632x128xf32, #tpu.memory_space<vmem_shared>>
      %dma_start3A_12 = arith.constant 0 : i32
      %dma_start3A_13 = tpu.memref_slice %arg3[%multiple_of3A, %dma_start3A_12] : memref<10112x128xf32, #tpu.memory_space<hbm>> -> memref<632x128xf32, #tpu.memory_space<hbm>>
      tpu.enqueue_dma source(%dma_start3A_13 : memref<632x128xf32, #tpu.memory_space<hbm>>) target(%dma_start3A_11 : memref<632x128xf32, #tpu.memory_space<vmem_shared>>) target_semaphore(%run_scoped3A : memref<!tpu.dma_semaphore, #tpu.memory_space<semaphore_mem>>)
      %dma_wait3A = arith.constant 0 : i32
      %dma_wait3A_14 = tpu.memref_slice %arg8[%multiple_of3A, %dma_wait3A] : memref<10112x128xf32, #tpu.memory_space<vmem_shared>> -> memref<632x128xf32, #tpu.memory_space<vmem_shared>>
      %dma_wait3A_15 = arith.constant 0 : i32
      %dma_wait3A_16 = tpu.memref_slice %arg3[%multiple_of3A, %dma_wait3A_15] : memref<10112x128xf32, #tpu.memory_space<hbm>> -> memref<632x128xf32, #tpu.memory_space<hbm>>
      tpu.wait_dma2 semaphore(%run_scoped3A : memref<!tpu.dma_semaphore, #tpu.memory_space<semaphore_mem>>) src(%dma_wait3A_16 : memref<632x128xf32, #tpu.memory_space<hbm>>) dst(%dma_wait3A_14 : memref<632x128xf32, #tpu.memory_space<vmem_shared>>)
      tpu.yield
    }) : () -> ()
    "tpu.region"() ({
      %run_scoped3A = tpu.sem_alloc : memref<!tpu.dma_semaphore, #tpu.memory_space<semaphore_mem>>
      tpu.enqueue_dma source(%arg4 : memref<80x128xf32, #tpu.memory_space<hbm>>) target(%arg7 : memref<80x128xf32, #tpu.memory_space<vmem>>) target_semaphore(%run_scoped3A : memref<!tpu.dma_semaphore, #tpu.memory_space<semaphore_mem>>)
      tpu.wait_dma2 semaphore(%run_scoped3A : memref<!tpu.dma_semaphore, #tpu.memory_space<semaphore_mem>>) src(%arg4 : memref<80x128xf32, #tpu.memory_space<hbm>>) dst(%arg7 : memref<80x128xf32, #tpu.memory_space<vmem>>)
      tpu.yield
    }) : () -> ()
    %barrier3A = arith.constant 0 : index
    tpu.barrier barrier_id(%barrier3A)
    %mul3A_3 = arith.constant 10000 : i32
    %mul3A_4 = arith.muli %add3A, %mul3A_3 : i32
    %scan3A = arith.constant 0 : i32
    %scan3A_5 = arith.constant 0 : i32
    %scan3A_6 = arith.constant 125 : i32
    %scan3A_7 = arith.addi %scan3A_5, %scan3A_6 : i32
    %scan3A_8 = arith.constant 1 : i32
    scf.for %scan3A_11 = %scan3A_5 to %scan3A_7 step %scan3A_8  : i32 {
      %mul3A_12 = arith.constant 80 : i32
      %mul3A_13 = arith.muli %scan3A_11, %mul3A_12 : i32
      %add3A_14 = arith.addi %mul3A_4, %mul3A_13 : i32
      %multiple_of3A_15 = tpu.assume_multiple %add3A_14, 8 : i32
      "tpu.region"() ({
        %run_scoped3A = tpu.sem_alloc : memref<!tpu.dma_semaphore, #tpu.memory_space<semaphore_mem>>
        %dma_start3A = tpu.memref_slice %arg2[%multiple_of3A_15] : memref<320000xi32, #tpu.memory_space<hbm>> -> memref<80xi32, #tpu.memory_space<hbm>>
        %dma_start3A_16 = tpu.memref_slice %arg2[%multiple_of3A_15] : memref<320000xi32, #tpu.memory_space<hbm>> -> memref<80xi32, #tpu.memory_space<hbm>>
        tpu.enqueue_dma source(%dma_start3A_16 : memref<80xi32, #tpu.memory_space<hbm>>) target(%arg6 : memref<80xi32, #tpu.memory_space<vmem>>) target_semaphore(%run_scoped3A : memref<!tpu.dma_semaphore, #tpu.memory_space<semaphore_mem>>)
        %dma_wait3A = tpu.memref_slice %arg2[%multiple_of3A_15] : memref<320000xi32, #tpu.memory_space<hbm>> -> memref<80xi32, #tpu.memory_space<hbm>>
        %dma_wait3A_17 = tpu.memref_slice %arg2[%multiple_of3A_15] : memref<320000xi32, #tpu.memory_space<hbm>> -> memref<80xi32, #tpu.memory_space<hbm>>
        tpu.wait_dma2 semaphore(%run_scoped3A : memref<!tpu.dma_semaphore, #tpu.memory_space<semaphore_mem>>) src(%dma_wait3A_17 : memref<80xi32, #tpu.memory_space<hbm>>) dst(%arg6 : memref<80xi32, #tpu.memory_space<vmem>>)
        tpu.yield
      }) : () -> ()
      "tpu.region"() ({
        %run_scoped3A = tpu.sem_alloc : memref<!tpu.dma_semaphore, #tpu.memory_space<semaphore_mem>>
        %dma_start3A = arith.constant 0 : i32
        %dma_start3A_16 = arith.constant 0 : i32
        %dma_start3A_17 = tpu.memref_slice %arg8[%dma_start3A, %dma_start3A_16] : memref<10112x128xf32, #tpu.memory_space<vmem_shared>> -> memref<10112x128xf32, #tpu.memory_space<vmem_shared>>
        tpu.enqueue_indirect_dma source(%arg7 : memref<80x128xf32, #tpu.memory_space<vmem>>) target(%dma_start3A_17 : memref<10112x128xf32, #tpu.memory_space<vmem_shared>>) offsets(%arg6 : memref<80xi32, #tpu.memory_space<vmem>>) semaphore(%run_scoped3A : memref<!tpu.dma_semaphore, #tpu.memory_space<semaphore_mem>>) {add = true}
        %dma_wait3A = arith.constant 0 : i32
        %dma_wait3A_18 = arith.constant 0 : i32
        %dma_wait3A_19 = tpu.memref_slice %arg8[%dma_wait3A, %dma_wait3A_18] : memref<10112x128xf32, #tpu.memory_space<vmem_shared>> -> memref<10112x128xf32, #tpu.memory_space<vmem_shared>>
        tpu.wait_indirect_dma semaphore(%run_scoped3A : memref<!tpu.dma_semaphore, #tpu.memory_space<semaphore_mem>>) src(%arg7 : memref<80x128xf32, #tpu.memory_space<vmem>>) dst(%dma_wait3A_19 : memref<10112x128xf32, #tpu.memory_space<vmem_shared>>)
        tpu.yield
      }) : () -> ()
    }
    %scan3A_9 = arith.constant 125 : i32
    %barrier3A_10 = arith.constant 0 : index
    tpu.barrier barrier_id(%barrier3A_10)
    "tpu.region"() ({
      %run_scoped3A = tpu.sem_alloc : memref<!tpu.dma_semaphore, #tpu.memory_space<semaphore_mem>>
      %dma_start3A = arith.constant 0 : i32
      %dma_start3A_11 = tpu.memref_slice %arg5[%arg0, %multiple_of3A, %dma_start3A] : memref<2x10112x128xf32, #tpu.memory_space<hbm>> -> memref<1x632x128xf32, #tpu.memory_space<hbm>>
      %dma_start3A_12 = tpu.memref_squeeze %dma_start3A_11 : memref<1x632x128xf32, #tpu.memory_space<hbm>> -> memref<632x128xf32, #tpu.memory_space<hbm>>
      %dma_start3A_13 = arith.constant 0 : i32
      %dma_start3A_14 = tpu.memref_slice %arg8[%multiple_of3A, %dma_start3A_13] : memref<10112x128xf32, #tpu.memory_space<vmem_shared>> -> memref<632x128xf32, #tpu.memory_space<vmem_shared>>
      tpu.enqueue_dma source(%dma_start3A_14 : memref<632x128xf32, #tpu.memory_space<vmem_shared>>) target(%dma_start3A_12 : memref<632x128xf32, #tpu.memory_space<hbm>>) target_semaphore(%run_scoped3A : memref<!tpu.dma_semaphore, #tpu.memory_space<semaphore_mem>>)
      %dma_wait3A = arith.constant 0 : i32
      %dma_wait3A_15 = tpu.memref_slice %arg5[%arg0, %multiple_of3A, %dma_wait3A] : memref<2x10112x128xf32, #tpu.memory_space<hbm>> -> memref<1x632x128xf32, #tpu.memory_space<hbm>>
      %dma_wait3A_16 = tpu.memref_squeeze %dma_wait3A_15 : memref<1x632x128xf32, #tpu.memory_space<hbm>> -> memref<632x128xf32, #tpu.memory_space<hbm>>
      %dma_wait3A_17 = arith.constant 0 : i32
      %dma_wait3A_18 = tpu.memref_slice %arg8[%multiple_of3A, %dma_wait3A_17] : memref<10112x128xf32, #tpu.memory_space<vmem_shared>> -> memref<632x128xf32, #tpu.memory_space<vmem_shared>>
      tpu.wait_dma2 semaphore(%run_scoped3A : memref<!tpu.dma_semaphore, #tpu.memory_space<semaphore_mem>>) src(%dma_wait3A_18 : memref<632x128xf32, #tpu.memory_space<vmem_shared>>) dst(%dma_wait3A_16 : memref<632x128xf32, #tpu.memory_space<hbm>>)
      tpu.yield
    }) : () -> ()
    return
  }
}

#map = affine_map<(d0, d1) -> (0, 0)>
#map1 = affine_map<(d0, d1) -> (0)>
#map2 = affine_map<(d0, d1) -> (0, 0, 0)>
module attributes {stable_mosaic.version = 14 : i64} {
  func.func @_edgepass(%arg0: i32, %arg1: i32, %arg2: memref<10000x128xf32, #tpu.memory_space<hbm>>, %arg3: memref<320000xi32, #tpu.memory_space<hbm>>, %arg4: memref<320000xi32, #tpu.memory_space<hbm>>, %arg5: memref<10112x128xf32, #tpu.memory_space<hbm>>, %arg6: memref<2x10112x128xf32, #tpu.memory_space<hbm>>, %arg7: memref<80xi32, #tpu.memory_space<vmem>>, %arg8: memref<80xi32, #tpu.memory_space<vmem>>, %arg9: memref<80x128xf32, #tpu.memory_space<vmem>>, %arg10: memref<10112x128xf32, #tpu.memory_space<vmem_shared>>, %arg11: memref<!tpu.dma_semaphore, #tpu.memory_space<semaphore_mem>>) attributes {dimension_semantics = [#tpu.dimension_semantics<core_parallel>, #tpu.dimension_semantics<subcore_parallel>], iteration_bounds = array<i64: 2, 16>, scalar_prefetch = 0 : i64, scratch_operands = 5 : i64, tpu.core_type = #tpu.core_type<sc_vector_subcore>, window_params = [{transform_indices = #map}, {transform_indices = #map1}, {transform_indices = #map1}, {transform_indices = #map}, {transform_indices = #map2}]} {
    %mul3A = arith.constant 2 : i32
    %mul3A_0 = arith.muli %arg1, %mul3A : i32
    %add3A = arith.addi %mul3A_0, %arg0 : i32
    %mul3A_1 = arith.constant 632 : i32
    %mul3A_2 = arith.muli %arg1, %mul3A_1 : i32
    %multiple_of3A = tpu.assume_multiple %mul3A_2, 8 : i32
    "tpu.region"() ({
      %run_scoped3A = tpu.sem_alloc : memref<!tpu.dma_semaphore, #tpu.memory_space<semaphore_mem>>
      %dma_start3A = arith.constant 0 : i32
      %dma_start3A_11 = tpu.memref_slice %arg10[%multiple_of3A, %dma_start3A] : memref<10112x128xf32, #tpu.memory_space<vmem_shared>> -> memref<632x128xf32, #tpu.memory_space<vmem_shared>>
      %dma_start3A_12 = arith.constant 0 : i32
      %dma_start3A_13 = tpu.memref_slice %arg5[%multiple_of3A, %dma_start3A_12] : memref<10112x128xf32, #tpu.memory_space<hbm>> -> memref<632x128xf32, #tpu.memory_space<hbm>>
      tpu.enqueue_dma source(%dma_start3A_13 : memref<632x128xf32, #tpu.memory_space<hbm>>) target(%dma_start3A_11 : memref<632x128xf32, #tpu.memory_space<vmem_shared>>) target_semaphore(%run_scoped3A : memref<!tpu.dma_semaphore, #tpu.memory_space<semaphore_mem>>)
      %dma_wait3A = arith.constant 0 : i32
      %dma_wait3A_14 = tpu.memref_slice %arg10[%multiple_of3A, %dma_wait3A] : memref<10112x128xf32, #tpu.memory_space<vmem_shared>> -> memref<632x128xf32, #tpu.memory_space<vmem_shared>>
      %dma_wait3A_15 = arith.constant 0 : i32
      %dma_wait3A_16 = tpu.memref_slice %arg5[%multiple_of3A, %dma_wait3A_15] : memref<10112x128xf32, #tpu.memory_space<hbm>> -> memref<632x128xf32, #tpu.memory_space<hbm>>
      tpu.wait_dma2 semaphore(%run_scoped3A : memref<!tpu.dma_semaphore, #tpu.memory_space<semaphore_mem>>) src(%dma_wait3A_16 : memref<632x128xf32, #tpu.memory_space<hbm>>) dst(%dma_wait3A_14 : memref<632x128xf32, #tpu.memory_space<vmem_shared>>)
      tpu.yield
    }) : () -> ()
    %barrier3A = arith.constant 0 : index
    tpu.barrier barrier_id(%barrier3A)
    %mul3A_3 = arith.constant 10000 : i32
    %mul3A_4 = arith.muli %add3A, %mul3A_3 : i32
    %scan3A = arith.constant 0 : i32
    %scan3A_5 = arith.constant 0 : i32
    %scan3A_6 = arith.constant 125 : i32
    %scan3A_7 = arith.addi %scan3A_5, %scan3A_6 : i32
    %scan3A_8 = arith.constant 1 : i32
    scf.for %scan3A_11 = %scan3A_5 to %scan3A_7 step %scan3A_8  : i32 {
      %mul3A_12 = arith.constant 80 : i32
      %mul3A_13 = arith.muli %scan3A_11, %mul3A_12 : i32
      %add3A_14 = arith.addi %mul3A_4, %mul3A_13 : i32
      %multiple_of3A_15 = tpu.assume_multiple %add3A_14, 8 : i32
      "tpu.region"() ({
        %run_scoped3A = tpu.sem_alloc : memref<!tpu.dma_semaphore, #tpu.memory_space<semaphore_mem>>
        %dma_start3A_20 = tpu.memref_slice %arg3[%multiple_of3A_15] : memref<320000xi32, #tpu.memory_space<hbm>> -> memref<80xi32, #tpu.memory_space<hbm>>
        %dma_start3A_21 = tpu.memref_slice %arg3[%multiple_of3A_15] : memref<320000xi32, #tpu.memory_space<hbm>> -> memref<80xi32, #tpu.memory_space<hbm>>
        tpu.enqueue_dma source(%dma_start3A_21 : memref<80xi32, #tpu.memory_space<hbm>>) target(%arg7 : memref<80xi32, #tpu.memory_space<vmem>>) target_semaphore(%run_scoped3A : memref<!tpu.dma_semaphore, #tpu.memory_space<semaphore_mem>>)
        %dma_wait3A_22 = tpu.memref_slice %arg3[%multiple_of3A_15] : memref<320000xi32, #tpu.memory_space<hbm>> -> memref<80xi32, #tpu.memory_space<hbm>>
        %dma_wait3A_23 = tpu.memref_slice %arg3[%multiple_of3A_15] : memref<320000xi32, #tpu.memory_space<hbm>> -> memref<80xi32, #tpu.memory_space<hbm>>
        tpu.wait_dma2 semaphore(%run_scoped3A : memref<!tpu.dma_semaphore, #tpu.memory_space<semaphore_mem>>) src(%dma_wait3A_23 : memref<80xi32, #tpu.memory_space<hbm>>) dst(%arg7 : memref<80xi32, #tpu.memory_space<vmem>>)
        tpu.yield
      }) : () -> ()
      "tpu.region"() ({
        %run_scoped3A = tpu.sem_alloc : memref<!tpu.dma_semaphore, #tpu.memory_space<semaphore_mem>>
        %dma_start3A_20 = tpu.memref_slice %arg4[%multiple_of3A_15] : memref<320000xi32, #tpu.memory_space<hbm>> -> memref<80xi32, #tpu.memory_space<hbm>>
        %dma_start3A_21 = tpu.memref_slice %arg4[%multiple_of3A_15] : memref<320000xi32, #tpu.memory_space<hbm>> -> memref<80xi32, #tpu.memory_space<hbm>>
        tpu.enqueue_dma source(%dma_start3A_21 : memref<80xi32, #tpu.memory_space<hbm>>) target(%arg8 : memref<80xi32, #tpu.memory_space<vmem>>) target_semaphore(%run_scoped3A : memref<!tpu.dma_semaphore, #tpu.memory_space<semaphore_mem>>)
        %dma_wait3A_22 = tpu.memref_slice %arg4[%multiple_of3A_15] : memref<320000xi32, #tpu.memory_space<hbm>> -> memref<80xi32, #tpu.memory_space<hbm>>
        %dma_wait3A_23 = tpu.memref_slice %arg4[%multiple_of3A_15] : memref<320000xi32, #tpu.memory_space<hbm>> -> memref<80xi32, #tpu.memory_space<hbm>>
        tpu.wait_dma2 semaphore(%run_scoped3A : memref<!tpu.dma_semaphore, #tpu.memory_space<semaphore_mem>>) src(%dma_wait3A_23 : memref<80xi32, #tpu.memory_space<hbm>>) dst(%arg8 : memref<80xi32, #tpu.memory_space<vmem>>)
        tpu.yield
      }) : () -> ()
      %dma_start3A = arith.constant 0 : i32
      %dma_start3A_16 = arith.constant 0 : i32
      %dma_start3A_17 = tpu.memref_slice %arg2[%dma_start3A, %dma_start3A_16] : memref<10000x128xf32, #tpu.memory_space<hbm>> -> memref<10000x128xf32, #tpu.memory_space<hbm>>
      tpu.enqueue_indirect_dma source(%dma_start3A_17 : memref<10000x128xf32, #tpu.memory_space<hbm>>) target(%arg9 : memref<80x128xf32, #tpu.memory_space<vmem>>) offsets(%arg7 : memref<80xi32, #tpu.memory_space<vmem>>) semaphore(%arg11 : memref<!tpu.dma_semaphore, #tpu.memory_space<semaphore_mem>>)
      %dma_wait3A = arith.constant 0 : i32
      %dma_wait3A_18 = arith.constant 0 : i32
      %dma_wait3A_19 = tpu.memref_slice %arg2[%dma_wait3A, %dma_wait3A_18] : memref<10000x128xf32, #tpu.memory_space<hbm>> -> memref<10000x128xf32, #tpu.memory_space<hbm>>
      tpu.wait_indirect_dma semaphore(%arg11 : memref<!tpu.dma_semaphore, #tpu.memory_space<semaphore_mem>>) src(%dma_wait3A_19 : memref<10000x128xf32, #tpu.memory_space<hbm>>) dst(%arg9 : memref<80x128xf32, #tpu.memory_space<vmem>>)
      "tpu.region"() ({
        %run_scoped3A = tpu.sem_alloc : memref<!tpu.dma_semaphore, #tpu.memory_space<semaphore_mem>>
        %dma_start3A_20 = arith.constant 0 : i32
        %dma_start3A_21 = arith.constant 0 : i32
        %dma_start3A_22 = tpu.memref_slice %arg10[%dma_start3A_20, %dma_start3A_21] : memref<10112x128xf32, #tpu.memory_space<vmem_shared>> -> memref<10112x128xf32, #tpu.memory_space<vmem_shared>>
        tpu.enqueue_indirect_dma source(%arg9 : memref<80x128xf32, #tpu.memory_space<vmem>>) target(%dma_start3A_22 : memref<10112x128xf32, #tpu.memory_space<vmem_shared>>) offsets(%arg8 : memref<80xi32, #tpu.memory_space<vmem>>) semaphore(%run_scoped3A : memref<!tpu.dma_semaphore, #tpu.memory_space<semaphore_mem>>) {add = true}
        %dma_wait3A_23 = arith.constant 0 : i32
        %dma_wait3A_24 = arith.constant 0 : i32
        %dma_wait3A_25 = tpu.memref_slice %arg10[%dma_wait3A_23, %dma_wait3A_24] : memref<10112x128xf32, #tpu.memory_space<vmem_shared>> -> memref<10112x128xf32, #tpu.memory_space<vmem_shared>>
        tpu.wait_indirect_dma semaphore(%run_scoped3A : memref<!tpu.dma_semaphore, #tpu.memory_space<semaphore_mem>>) src(%arg9 : memref<80x128xf32, #tpu.memory_space<vmem>>) dst(%dma_wait3A_25 : memref<10112x128xf32, #tpu.memory_space<vmem_shared>>)
        tpu.yield
      }) : () -> ()
    }
    %scan3A_9 = arith.constant 125 : i32
    %barrier3A_10 = arith.constant 0 : index
    tpu.barrier barrier_id(%barrier3A_10)
    "tpu.region"() ({
      %run_scoped3A = tpu.sem_alloc : memref<!tpu.dma_semaphore, #tpu.memory_space<semaphore_mem>>
      %dma_start3A = arith.constant 0 : i32
      %dma_start3A_11 = tpu.memref_slice %arg6[%arg0, %multiple_of3A, %dma_start3A] : memref<2x10112x128xf32, #tpu.memory_space<hbm>> -> memref<1x632x128xf32, #tpu.memory_space<hbm>>
      %dma_start3A_12 = tpu.memref_squeeze %dma_start3A_11 : memref<1x632x128xf32, #tpu.memory_space<hbm>> -> memref<632x128xf32, #tpu.memory_space<hbm>>
      %dma_start3A_13 = arith.constant 0 : i32
      %dma_start3A_14 = tpu.memref_slice %arg10[%multiple_of3A, %dma_start3A_13] : memref<10112x128xf32, #tpu.memory_space<vmem_shared>> -> memref<632x128xf32, #tpu.memory_space<vmem_shared>>
      tpu.enqueue_dma source(%dma_start3A_14 : memref<632x128xf32, #tpu.memory_space<vmem_shared>>) target(%dma_start3A_12 : memref<632x128xf32, #tpu.memory_space<hbm>>) target_semaphore(%run_scoped3A : memref<!tpu.dma_semaphore, #tpu.memory_space<semaphore_mem>>)
      %dma_wait3A = arith.constant 0 : i32
      %dma_wait3A_15 = tpu.memref_slice %arg6[%arg0, %multiple_of3A, %dma_wait3A] : memref<2x10112x128xf32, #tpu.memory_space<hbm>> -> memref<1x632x128xf32, #tpu.memory_space<hbm>>
      %dma_wait3A_16 = tpu.memref_squeeze %dma_wait3A_15 : memref<1x632x128xf32, #tpu.memory_space<hbm>> -> memref<632x128xf32, #tpu.memory_space<hbm>>
      %dma_wait3A_17 = arith.constant 0 : i32
      %dma_wait3A_18 = tpu.memref_slice %arg10[%multiple_of3A, %dma_wait3A_17] : memref<10112x128xf32, #tpu.memory_space<vmem_shared>> -> memref<632x128xf32, #tpu.memory_space<vmem_shared>>
      tpu.wait_dma2 semaphore(%run_scoped3A : memref<!tpu.dma_semaphore, #tpu.memory_space<semaphore_mem>>) src(%dma_wait3A_18 : memref<632x128xf32, #tpu.memory_space<vmem_shared>>) dst(%dma_wait3A_16 : memref<632x128xf32, #tpu.memory_space<hbm>>)
      tpu.yield
    }) : () -> ()
    return
  }
}

module attributes {stable_mosaic.version = 14 : i64} {
  func.func @_encoder_body(%arg0: i32, %arg1: memref<1000x128xf32, #tpu.memory_space<vmem>>, %arg2: memref<128x128xf32, #tpu.memory_space<vmem>>, %arg3: memref<1x128xf32, #tpu.memory_space<vmem>>, %arg4: memref<1000x128xf32, #tpu.memory_space<vmem>>, %arg5: memref<128x128xf32, #tpu.memory_space<vmem>>, %arg6: memref<1x128xf32, #tpu.memory_space<vmem>>, %arg7: memref<1x1xf32, #tpu.memory_space<vmem>>, %arg8: memref<1x128xf32, #tpu.memory_space<vmem>>) attributes {dimension_semantics = [#tpu.dimension_semantics<arbitrary>], iteration_bounds = array<i64: 10>, scalar_prefetch = 0 : i64, scratch_operands = 0 : i64, tpu.core_type = #tpu.core_type<tc>, window_params = [{transform_indices = @transform_0, window_bounds = array<i64: 1000, 128>}, {pipeline_mode = #tpu.pipeline_mode<synchronous>, transform_indices = @transform_1, window_bounds = array<i64: 128, 128>}, {pipeline_mode = #tpu.pipeline_mode<synchronous>, transform_indices = @transform_2, window_bounds = array<i64: 1, 128>}, {transform_indices = @transform_3, window_bounds = array<i64: 1000, 128>}, {pipeline_mode = #tpu.pipeline_mode<synchronous>, transform_indices = @transform_4, window_bounds = array<i64: 128, 128>}, {pipeline_mode = #tpu.pipeline_mode<synchronous>, transform_indices = @transform_5, window_bounds = array<i64: 1, 128>}, {pipeline_mode = #tpu.pipeline_mode<synchronous>, transform_indices = @transform_6, window_bounds = array<i64: 1, 1>}, {pipeline_mode = #tpu.pipeline_mode<synchronous>, transform_indices = @transform_7, window_bounds = array<i64: 1, 128>}]} {
    %get3A = arith.constant 0 : index
    %get3A_0 = arith.constant 0 : index
    %get3A_1 = vector.load %arg1[%get3A, %get3A_0] : memref<1000x128xf32, #tpu.memory_space<vmem>>, vector<1000x128xf32>
    %get3A_2 = arith.constant 0 : index
    %get3A_3 = arith.constant 0 : index
    %get3A_4 = vector.load %arg2[%get3A_2, %get3A_3] : memref<128x128xf32, #tpu.memory_space<vmem>>, vector<128x128xf32>
    %dot_general3A = arith.constant dense<0.000000e+00> : vector<1000x128xf32>
    %dot_general3A_5 = tpu.matmul %get3A_1, %get3A_4, %dot_general3A {dimension_numbers = #tpu.dot_dimension_numbers<[1], [0], [0], [1], [0, 0, 1, 1], [], []>, precision = #tpu.contract_precision<fp32>, transpose_lhs_hint = false} : vector<1000x128xf32>, vector<128x128xf32>, vector<1000x128xf32> -> vector<1000x128xf32>
    %get3A_6 = arith.constant 0 : index
    %get3A_7 = arith.constant 0 : index
    %get3A_8 = vector.load %arg3[%get3A_6, %get3A_7] : memref<1x128xf32, #tpu.memory_space<vmem>>, vector<1x128xf32>
    %add3A = vector.broadcast %get3A_8 : vector<1x128xf32> to vector<1000x128xf32>
    %add3A_9 = arith.addf %dot_general3A_5, %add3A : vector<1000x128xf32>
    %swap3A = arith.constant 0 : index
    %swap3A_10 = arith.constant 0 : index
    %swap3A_11 = vector.load %arg4[%swap3A, %swap3A_10] : memref<1000x128xf32, #tpu.memory_space<vmem>>, vector<1000x128xf32>
    tpu.vector_store %arg4[%swap3A, %swap3A_10], %add3A_9 {strides = array<i32>} : memref<1000x128xf32, #tpu.memory_space<vmem>>, vector<1000x128xf32>,
    %abs3A = math.absf %add3A_9 : vector<1000x128xf32>
    %reduce_sum3A = arith.constant dense<0.000000e+00> : vector<128xf32>
    %reduce_sum3A_12 = vector.multi_reduction <add>, %abs3A, %reduce_sum3A [0] : vector<1000x128xf32> to vector<128xf32>
    %broadcast_in_dim3A = vector.shape_cast %reduce_sum3A_12 : vector<128xf32> to vector<1x128xf32>
    %reduce_sum3A_13 = arith.constant dense<0.000000e+00> : vector<1000xf32>
    %reduce_sum3A_14 = vector.multi_reduction <add>, %abs3A, %reduce_sum3A_13 [1] : vector<1000x128xf32> to vector<1000xf32>
    %broadcast_in_dim3A_15 = vector.shape_cast %reduce_sum3A_14 : vector<1000xf32> to vector<1000x1xf32>
    %dot_general3A_16 = arith.constant dense<0.000000e+00> : vector<128x128xf32>
    %dot_general3A_17 = tpu.matmul %add3A_9, %add3A_9, %dot_general3A_16 {dimension_numbers = #tpu.dot_dimension_numbers<[0], [0], [1], [1], [0, 1, 1, 1], [], []>, precision = #tpu.contract_precision<fp32>, transpose_lhs_hint = false} : vector<1000x128xf32>, vector<1000x128xf32>, vector<128x128xf32> -> vector<128x128xf32>
    %reduce_max3A = vector.shape_cast %broadcast_in_dim3A_15 : vector<1000x1xf32> to vector<1x1000x1xf32>
    %reduce_max3A_18 = arith.constant dense<0xFF800000> : vector<1xf32>
    %reduce_max3A_19 = vector.multi_reduction <maximumf>, %reduce_max3A, %reduce_max3A_18 [1, 2] : vector<1x1000x1xf32> to vector<1xf32>
    %reduce_max3A_20 = vector.shape_cast %reduce_max3A_19 : vector<1xf32> to vector<1x1x1xf32>
    %reduce_max3A_21 = vector.extract %reduce_max3A_20[0, 0, 0] : f32 from vector<1x1x1xf32>
    %iota3A = tpu.iota {dimensions = array<i32: 0>} : vector<1000x1xi32>
    %eq3A = vector.broadcast %reduce_max3A_21 : f32 to vector<1000x1xf32>
    %eq3A_22 = arith.cmpf oeq, %broadcast_in_dim3A_15, %eq3A : vector<1000x1xf32>
    %jit3A = arith.constant 1000 : i32
    %broadcast_in_dim3A_23 = vector.broadcast %jit3A : i32 to vector<1000x1xi32>
    %select_n3A = arith.select %eq3A_22, %iota3A, %broadcast_in_dim3A_23 : vector<1000x1xi1>, vector<1000x1xi32>
    %reduce_min3A = vector.shape_cast %select_n3A : vector<1000x1xi32> to vector<1x1000x1xi32>
    %reduce_min3A_24 = arith.constant dense<2147483647> : vector<1xi32>
    %reduce_min3A_25 = vector.multi_reduction <minsi>, %reduce_min3A, %reduce_min3A_24 [1, 2] : vector<1x1000x1xi32> to vector<1xi32>
    %reduce_min3A_26 = vector.shape_cast %reduce_min3A_25 : vector<1xi32> to vector<1x1x1xi32>
    %reduce_min3A_27 = vector.extract %reduce_min3A_26[0, 0, 0] : i32 from vector<1x1x1xi32>
    %eq3A_28 = vector.broadcast %reduce_min3A_27 : i32 to vector<1000x1xi32>
    %eq3A_29 = arith.cmpi eq, %iota3A, %eq3A_28 : vector<1000x1xi32>
    %convert_element_type3A = arith.extui %eq3A_29 : vector<1000x1xi1> to vector<1000x1xi32>
    %convert_element_type3A_30 = arith.sitofp %convert_element_type3A : vector<1000x1xi32> to vector<1000x1xf32>
    %mul3A = vector.broadcast %convert_element_type3A_30 : vector<1000x1xf32> to vector<1000x128xf32>
    %mul3A_31 = arith.mulf %add3A_9, %mul3A : vector<1000x128xf32>
    %reduce_sum3A_32 = arith.constant dense<0.000000e+00> : vector<128xf32>
    %reduce_sum3A_33 = vector.multi_reduction <add>, %mul3A_31, %reduce_sum3A_32 [0] : vector<1000x128xf32> to vector<128xf32>
    %broadcast_in_dim3A_34 = vector.shape_cast %reduce_sum3A_33 : vector<128xf32> to vector<1x128xf32>
    %eq3A_35 = arith.constant 0 : i32
    %eq3A_36 = arith.cmpi eq, %arg0, %eq3A_35 : i32
    %convert_element_type3A_37 = arith.extui %eq3A_36 : i1 to i32
    %cond3A = arith.constant 0 : i32
    %cond3A_38 = arith.cmpi ne, %convert_element_type3A_37, %cond3A : i32
    scf.if %cond3A_38 {
      %swap3A_43 = arith.constant 0 : index
      %swap3A_44 = arith.constant 0 : index
      %swap3A_45 = vector.load %arg5[%swap3A_43, %swap3A_44] : memref<128x128xf32, #tpu.memory_space<vmem>>, vector<128x128xf32>
      tpu.vector_store %arg5[%swap3A_43, %swap3A_44], %dot_general3A_17 {strides = array<i32>} : memref<128x128xf32, #tpu.memory_space<vmem>>, vector<128x128xf32>,
      %swap3A_46 = arith.constant 0 : index
      %swap3A_47 = arith.constant 0 : index
      %swap3A_48 = vector.load %arg6[%swap3A_46, %swap3A_47] : memref<1x128xf32, #tpu.memory_space<vmem>>, vector<1x128xf32>
      tpu.vector_store %arg6[%swap3A_46, %swap3A_47], %broadcast_in_dim3A {strides = array<i32>} : memref<1x128xf32, #tpu.memory_space<vmem>>, vector<1x128xf32>,
      %broadcast_in_dim3A_49 = vector.broadcast %reduce_max3A_21 : f32 to vector<1x1xf32>
      %swap3A_50 = arith.constant 0 : index
      %swap3A_51 = arith.constant 0 : index
      %swap3A_52 = vector.load %arg7[%swap3A_50, %swap3A_51] : memref<1x1xf32, #tpu.memory_space<vmem>>, vector<1x1xf32>
      tpu.vector_store %arg7[%swap3A_50, %swap3A_51], %broadcast_in_dim3A_49 {strides = array<i32>} : memref<1x1xf32, #tpu.memory_space<vmem>>, vector<1x1xf32>,
      %swap3A_53 = arith.constant 0 : index
      %swap3A_54 = arith.constant 0 : index
      %swap3A_55 = vector.load %arg8[%swap3A_53, %swap3A_54] : memref<1x128xf32, #tpu.memory_space<vmem>>, vector<1x128xf32>
      tpu.vector_store %arg8[%swap3A_53, %swap3A_54], %broadcast_in_dim3A_34 {strides = array<i32>} : memref<1x128xf32, #tpu.memory_space<vmem>>, vector<1x128xf32>,
    } else {
    }
    %ne3A = arith.constant 0 : i32
    %ne3A_39 = arith.cmpi ne, %arg0, %ne3A : i32
    %convert_element_type3A_40 = arith.extui %ne3A_39 : i1 to i32
    %cond3A_41 = arith.constant 0 : i32
    %cond3A_42 = arith.cmpi ne, %convert_element_type3A_40, %cond3A_41 : i32
    scf.if %cond3A_42 {
      %get3A_43 = arith.constant 0 : index
      %get3A_44 = arith.constant 0 : index
      %get3A_45 = vector.load %arg5[%get3A_43, %get3A_44] : memref<128x128xf32, #tpu.memory_space<vmem>>, vector<128x128xf32>
      %add3A_46 = arith.addf %get3A_45, %dot_general3A_17 : vector<128x128xf32>
      %swap3A_47 = arith.constant 0 : index
      %swap3A_48 = arith.constant 0 : index
      %swap3A_49 = vector.load %arg5[%swap3A_47, %swap3A_48] : memref<128x128xf32, #tpu.memory_space<vmem>>, vector<128x128xf32>
      tpu.vector_store %arg5[%swap3A_47, %swap3A_48], %add3A_46 {strides = array<i32>} : memref<128x128xf32, #tpu.memory_space<vmem>>, vector<128x128xf32>,
      %get3A_50 = arith.constant 0 : index
      %get3A_51 = arith.constant 0 : index
      %get3A_52 = vector.load %arg6[%get3A_50, %get3A_51] : memref<1x128xf32, #tpu.memory_space<vmem>>, vector<1x128xf32>
      %add3A_53 = arith.addf %get3A_52, %broadcast_in_dim3A : vector<1x128xf32>
      %swap3A_54 = arith.constant 0 : index
      %swap3A_55 = arith.constant 0 : index
      %swap3A_56 = vector.load %arg6[%swap3A_54, %swap3A_55] : memref<1x128xf32, #tpu.memory_space<vmem>>, vector<1x128xf32>
      tpu.vector_store %arg6[%swap3A_54, %swap3A_55], %add3A_53 {strides = array<i32>} : memref<1x128xf32, #tpu.memory_space<vmem>>, vector<1x128xf32>,
      %get3A_57 = arith.constant 0 : index
      %get3A_58 = arith.constant 0 : index
      %get3A_59 = vector.load %arg7[%get3A_57, %get3A_58] : memref<1x1xf32, #tpu.memory_space<vmem>>, vector<1x1xf32>
      %get3A_60 = vector.extract %get3A_59[0, 0] : f32 from vector<1x1xf32>
      %gt3A = arith.cmpf ogt, %reduce_max3A_21, %get3A_60 : f32
      %select_n3A_61 = arith.select %gt3A, %reduce_max3A_21, %get3A_60 : f32
      %broadcast_in_dim3A_62 = vector.broadcast %select_n3A_61 : f32 to vector<1x1xf32>
      %swap3A_63 = arith.constant 0 : index
      %swap3A_64 = arith.constant 0 : index
      %swap3A_65 = vector.load %arg7[%swap3A_63, %swap3A_64] : memref<1x1xf32, #tpu.memory_space<vmem>>, vector<1x1xf32>
      tpu.vector_store %arg7[%swap3A_63, %swap3A_64], %broadcast_in_dim3A_62 {strides = array<i32>} : memref<1x1xf32, #tpu.memory_space<vmem>>, vector<1x1xf32>,
      %get3A_66 = arith.constant 0 : index
      %get3A_67 = arith.constant 0 : index
      %get3A_68 = vector.load %arg8[%get3A_66, %get3A_67] : memref<1x128xf32, #tpu.memory_space<vmem>>, vector<1x128xf32>
      %select_n3A_69 = arith.select %gt3A, %broadcast_in_dim3A_34, %get3A_68 : vector<1x128xf32>
      %swap3A_70 = arith.constant 0 : index
      %swap3A_71 = arith.constant 0 : index
      %swap3A_72 = vector.load %arg8[%swap3A_70, %swap3A_71] : memref<1x128xf32, #tpu.memory_space<vmem>>, vector<1x128xf32>
      tpu.vector_store %arg8[%swap3A_70, %swap3A_71], %select_n3A_69 {strides = array<i32>} : memref<1x128xf32, #tpu.memory_space<vmem>>, vector<1x128xf32>,
    } else {
    }
    return
  }
  func.func @transform_0(%arg0: i32) -> (i32, i32) {
    %c0_i32 = arith.constant 0 : i32
    %c0_i32_0 = arith.constant 0 : i32
    return %arg0, %c0_i32 : i32, i32
  }
  func.func @transform_1(%arg0: i32) -> (i32, i32) {
    %c0_i32 = arith.constant 0 : i32
    %c0_i32_0 = arith.constant 0 : i32
    %c0_i32_1 = arith.constant 0 : i32
    return %c0_i32, %c0_i32_0 : i32, i32
  }
  func.func @transform_2(%arg0: i32) -> (i32, i32) {
    %c0_i32 = arith.constant 0 : i32
    %c0_i32_0 = arith.constant 0 : i32
    %c0_i32_1 = arith.constant 0 : i32
    return %c0_i32, %c0_i32_0 : i32, i32
  }
  func.func @transform_3(%arg0: i32) -> (i32, i32) {
    %c0_i32 = arith.constant 0 : i32
    %c0_i32_0 = arith.constant 0 : i32
    return %arg0, %c0_i32 : i32, i32
  }
  func.func @transform_4(%arg0: i32) -> (i32, i32) {
    %c0_i32 = arith.constant 0 : i32
    %c0_i32_0 = arith.constant 0 : i32
    %c0_i32_1 = arith.constant 0 : i32
    return %c0_i32, %c0_i32_0 : i32, i32
  }
  func.func @transform_5(%arg0: i32) -> (i32, i32) {
    %c0_i32 = arith.constant 0 : i32
    %c0_i32_0 = arith.constant 0 : i32
    %c0_i32_1 = arith.constant 0 : i32
    return %c0_i32, %c0_i32_0 : i32, i32
  }
  func.func @transform_6(%arg0: i32) -> (i32, i32) {
    %c0_i32 = arith.constant 0 : i32
    %c0_i32_0 = arith.constant 0 : i32
    %c0_i32_1 = arith.constant 0 : i32
    return %c0_i32, %c0_i32_0 : i32, i32
  }
  func.func @transform_7(%arg0: i32) -> (i32, i32) {
    %c0_i32 = arith.constant 0 : i32
    %c0_i32_0 = arith.constant 0 : i32
    %c0_i32_1 = arith.constant 0 : i32
    return %c0_i32, %c0_i32_0 : i32, i32
  }
}

module attributes {stable_mosaic.version = 14 : i64} {
  func.func @_conv_body(%arg0: i32, %arg1: memref<2x1000x128xf32, #tpu.memory_space<vmem>>, %arg2: memref<2x1000x128xf32, #tpu.memory_space<vmem>>, %arg3: memref<1000x128xf32, #tpu.memory_space<vmem>>, %arg4: memref<128x128xf32, #tpu.memory_space<vmem>>, %arg5: memref<128x128xf32, #tpu.memory_space<vmem>>, %arg6: memref<1x128xf32, #tpu.memory_space<vmem>>, %arg7: memref<1000x128xf32, #tpu.memory_space<vmem>>, %arg8: memref<128x128xf32, #tpu.memory_space<vmem>>, %arg9: memref<1x128xf32, #tpu.memory_space<vmem>>, %arg10: memref<1x1xf32, #tpu.memory_space<vmem>>, %arg11: memref<1x128xf32, #tpu.memory_space<vmem>>) attributes {dimension_semantics = [#tpu.dimension_semantics<arbitrary>], iteration_bounds = array<i64: 10>, scalar_prefetch = 0 : i64, scratch_operands = 0 : i64, tpu.core_type = #tpu.core_type<tc>, window_params = [{transform_indices = @transform_0, window_bounds = array<i64: 2, 1000, 128>}, {transform_indices = @transform_1, window_bounds = array<i64: 2, 1000, 128>}, {transform_indices = @transform_2, window_bounds = array<i64: 1000, 128>}, {pipeline_mode = #tpu.pipeline_mode<synchronous>, transform_indices = @transform_3, window_bounds = array<i64: 128, 128>}, {pipeline_mode = #tpu.pipeline_mode<synchronous>, transform_indices = @transform_4, window_bounds = array<i64: 128, 128>}, {pipeline_mode = #tpu.pipeline_mode<synchronous>, transform_indices = @transform_5, window_bounds = array<i64: 1, 128>}, {transform_indices = @transform_6, window_bounds = array<i64: 1000, 128>}, {pipeline_mode = #tpu.pipeline_mode<synchronous>, transform_indices = @transform_7, window_bounds = array<i64: 128, 128>}, {pipeline_mode = #tpu.pipeline_mode<synchronous>, transform_indices = @transform_8, window_bounds = array<i64: 1, 128>}, {pipeline_mode = #tpu.pipeline_mode<synchronous>, transform_indices = @transform_9, window_bounds = array<i64: 1, 1>}, {pipeline_mode = #tpu.pipeline_mode<synchronous>, transform_indices = @transform_10, window_bounds = array<i64: 1, 128>}]} {
    %get3A = arith.constant 0 : index
    %get3A_0 = arith.constant 0 : index
    %get3A_1 = arith.constant 0 : index
    %get3A_2 = vector.load %arg1[%get3A, %get3A_0, %get3A_1] : memref<2x1000x128xf32, #tpu.memory_space<vmem>>, vector<1x1000x128xf32>
    %get3A_3 = vector.shape_cast %get3A_2 : vector<1x1000x128xf32> to vector<1000x128xf32>
    %get3A_4 = arith.constant 1 : index
    %get3A_5 = arith.constant 0 : index
    %get3A_6 = arith.constant 0 : index
    %get3A_7 = vector.load %arg1[%get3A_4, %get3A_5, %get3A_6] : memref<2x1000x128xf32, #tpu.memory_space<vmem>>, vector<1x1000x128xf32>
    %get3A_8 = vector.shape_cast %get3A_7 : vector<1x1000x128xf32> to vector<1000x128xf32>
    %add3A = arith.addf %get3A_3, %get3A_8 : vector<1000x128xf32>
    %get3A_9 = arith.constant 0 : index
    %get3A_10 = arith.constant 0 : index
    %get3A_11 = arith.constant 0 : index
    %get3A_12 = vector.load %arg2[%get3A_9, %get3A_10, %get3A_11] : memref<2x1000x128xf32, #tpu.memory_space<vmem>>, vector<1x1000x1xf32>
    %get3A_13 = vector.shape_cast %get3A_12 : vector<1x1000x1xf32> to vector<1000x1xf32>
    %get3A_14 = arith.constant 1 : index
    %get3A_15 = arith.constant 0 : index
    %get3A_16 = arith.constant 0 : index
    %get3A_17 = vector.load %arg2[%get3A_14, %get3A_15, %get3A_16] : memref<2x1000x128xf32, #tpu.memory_space<vmem>>, vector<1x1000x1xf32>
    %get3A_18 = vector.shape_cast %get3A_17 : vector<1x1000x1xf32> to vector<1000x1xf32>
    %add3A_19 = arith.addf %get3A_13, %get3A_18 : vector<1000x1xf32>
    %max3A = arith.constant 1.000000e+00 : f32
    %max3A_20 = vector.broadcast %max3A : f32 to vector<1000x1xf32>
    %max3A_21 = arith.maximumf %add3A_19, %max3A_20 : vector<1000x1xf32>
    %div3A = vector.broadcast %max3A_21 : vector<1000x1xf32> to vector<1000x128xf32>
    %div3A_22 = arith.divf %add3A, %div3A : vector<1000x128xf32>
    %get3A_23 = arith.constant 0 : index
    %get3A_24 = arith.constant 0 : index
    %get3A_25 = vector.load %arg4[%get3A_23, %get3A_24] : memref<128x128xf32, #tpu.memory_space<vmem>>, vector<128x128xf32>
    %dot_general3A = arith.constant dense<0.000000e+00> : vector<1000x128xf32>
    %dot_general3A_26 = tpu.matmul %div3A_22, %get3A_25, %dot_general3A {dimension_numbers = #tpu.dot_dimension_numbers<[1], [0], [0], [1], [0, 0, 1, 1], [], []>, precision = #tpu.contract_precision<fp32>, transpose_lhs_hint = false} : vector<1000x128xf32>, vector<128x128xf32>, vector<1000x128xf32> -> vector<1000x128xf32>
    %get3A_27 = arith.constant 0 : index
    %get3A_28 = arith.constant 0 : index
    %get3A_29 = vector.load %arg3[%get3A_27, %get3A_28] : memref<1000x128xf32, #tpu.memory_space<vmem>>, vector<1000x128xf32>
    %get3A_30 = arith.constant 0 : index
    %get3A_31 = arith.constant 0 : index
    %get3A_32 = vector.load %arg5[%get3A_30, %get3A_31] : memref<128x128xf32, #tpu.memory_space<vmem>>, vector<128x128xf32>
    %dot_general3A_33 = arith.constant dense<0.000000e+00> : vector<1000x128xf32>
    %dot_general3A_34 = tpu.matmul %get3A_29, %get3A_32, %dot_general3A_33 {dimension_numbers = #tpu.dot_dimension_numbers<[1], [0], [0], [1], [0, 0, 1, 1], [], []>, precision = #tpu.contract_precision<fp32>, transpose_lhs_hint = false} : vector<1000x128xf32>, vector<128x128xf32>, vector<1000x128xf32> -> vector<1000x128xf32>
    %add3A_35 = arith.addf %dot_general3A_26, %dot_general3A_34 : vector<1000x128xf32>
    %get3A_36 = arith.constant 0 : index
    %get3A_37 = arith.constant 0 : index
    %get3A_38 = vector.load %arg6[%get3A_36, %get3A_37] : memref<1x128xf32, #tpu.memory_space<vmem>>, vector<1x128xf32>
    %add3A_39 = vector.broadcast %get3A_38 : vector<1x128xf32> to vector<1000x128xf32>
    %add3A_40 = arith.addf %add3A_35, %add3A_39 : vector<1000x128xf32>
    %max3A_41 = arith.constant 0.000000e+00 : f32
    %max3A_42 = vector.broadcast %max3A_41 : f32 to vector<1000x128xf32>
    %max3A_43 = arith.maximumf %add3A_40, %max3A_42 : vector<1000x128xf32>
    %swap3A = arith.constant 0 : index
    %swap3A_44 = arith.constant 0 : index
    %swap3A_45 = vector.load %arg7[%swap3A, %swap3A_44] : memref<1000x128xf32, #tpu.memory_space<vmem>>, vector<1000x128xf32>
    tpu.vector_store %arg7[%swap3A, %swap3A_44], %max3A_43 {strides = array<i32>} : memref<1000x128xf32, #tpu.memory_space<vmem>>, vector<1000x128xf32>,
    %abs3A = math.absf %max3A_43 : vector<1000x128xf32>
    %reduce_sum3A = arith.constant dense<0.000000e+00> : vector<128xf32>
    %reduce_sum3A_46 = vector.multi_reduction <add>, %abs3A, %reduce_sum3A [0] : vector<1000x128xf32> to vector<128xf32>
    %broadcast_in_dim3A = vector.shape_cast %reduce_sum3A_46 : vector<128xf32> to vector<1x128xf32>
    %reduce_sum3A_47 = arith.constant dense<0.000000e+00> : vector<1000xf32>
    %reduce_sum3A_48 = vector.multi_reduction <add>, %abs3A, %reduce_sum3A_47 [1] : vector<1000x128xf32> to vector<1000xf32>
    %broadcast_in_dim3A_49 = vector.shape_cast %reduce_sum3A_48 : vector<1000xf32> to vector<1000x1xf32>
    %dot_general3A_50 = arith.constant dense<0.000000e+00> : vector<128x128xf32>
    %dot_general3A_51 = tpu.matmul %max3A_43, %max3A_43, %dot_general3A_50 {dimension_numbers = #tpu.dot_dimension_numbers<[0], [0], [1], [1], [0, 1, 1, 1], [], []>, precision = #tpu.contract_precision<fp32>, transpose_lhs_hint = false} : vector<1000x128xf32>, vector<1000x128xf32>, vector<128x128xf32> -> vector<128x128xf32>
    %reduce_max3A = vector.shape_cast %broadcast_in_dim3A_49 : vector<1000x1xf32> to vector<1x1000x1xf32>
    %reduce_max3A_52 = arith.constant dense<0xFF800000> : vector<1xf32>
    %reduce_max3A_53 = vector.multi_reduction <maximumf>, %reduce_max3A, %reduce_max3A_52 [1, 2] : vector<1x1000x1xf32> to vector<1xf32>
    %reduce_max3A_54 = vector.shape_cast %reduce_max3A_53 : vector<1xf32> to vector<1x1x1xf32>
    %reduce_max3A_55 = vector.extract %reduce_max3A_54[0, 0, 0] : f32 from vector<1x1x1xf32>
    %iota3A = tpu.iota {dimensions = array<i32: 0>} : vector<1000x1xi32>
    %eq3A = vector.broadcast %reduce_max3A_55 : f32 to vector<1000x1xf32>
    %eq3A_56 = arith.cmpf oeq, %broadcast_in_dim3A_49, %eq3A : vector<1000x1xf32>
    %jit3A = arith.constant 1000 : i32
    %broadcast_in_dim3A_57 = vector.broadcast %jit3A : i32 to vector<1000x1xi32>
    %select_n3A = arith.select %eq3A_56, %iota3A, %broadcast_in_dim3A_57 : vector<1000x1xi1>, vector<1000x1xi32>
    %reduce_min3A = vector.shape_cast %select_n3A : vector<1000x1xi32> to vector<1x1000x1xi32>
    %reduce_min3A_58 = arith.constant dense<2147483647> : vector<1xi32>
    %reduce_min3A_59 = vector.multi_reduction <minsi>, %reduce_min3A, %reduce_min3A_58 [1, 2] : vector<1x1000x1xi32> to vector<1xi32>
    %reduce_min3A_60 = vector.shape_cast %reduce_min3A_59 : vector<1xi32> to vector<1x1x1xi32>
    %reduce_min3A_61 = vector.extract %reduce_min3A_60[0, 0, 0] : i32 from vector<1x1x1xi32>
    %eq3A_62 = vector.broadcast %reduce_min3A_61 : i32 to vector<1000x1xi32>
    %eq3A_63 = arith.cmpi eq, %iota3A, %eq3A_62 : vector<1000x1xi32>
    %convert_element_type3A = arith.extui %eq3A_63 : vector<1000x1xi1> to vector<1000x1xi32>
    %convert_element_type3A_64 = arith.sitofp %convert_element_type3A : vector<1000x1xi32> to vector<1000x1xf32>
    %mul3A = vector.broadcast %convert_element_type3A_64 : vector<1000x1xf32> to vector<1000x128xf32>
    %mul3A_65 = arith.mulf %max3A_43, %mul3A : vector<1000x128xf32>
    %reduce_sum3A_66 = arith.constant dense<0.000000e+00> : vector<128xf32>
    %reduce_sum3A_67 = vector.multi_reduction <add>, %mul3A_65, %reduce_sum3A_66 [0] : vector<1000x128xf32> to vector<128xf32>
    %broadcast_in_dim3A_68 = vector.shape_cast %reduce_sum3A_67 : vector<128xf32> to vector<1x128xf32>
    %eq3A_69 = arith.constant 0 : i32
    %eq3A_70 = arith.cmpi eq, %arg0, %eq3A_69 : i32
    %convert_element_type3A_71 = arith.extui %eq3A_70 : i1 to i32
    %cond3A = arith.constant 0 : i32
    %cond3A_72 = arith.cmpi ne, %convert_element_type3A_71, %cond3A : i32
    scf.if %cond3A_72 {
      %swap3A_77 = arith.constant 0 : index
      %swap3A_78 = arith.constant 0 : index
      %swap3A_79 = vector.load %arg8[%swap3A_77, %swap3A_78] : memref<128x128xf32, #tpu.memory_space<vmem>>, vector<128x128xf32>
      tpu.vector_store %arg8[%swap3A_77, %swap3A_78], %dot_general3A_51 {strides = array<i32>} : memref<128x128xf32, #tpu.memory_space<vmem>>, vector<128x128xf32>,
      %swap3A_80 = arith.constant 0 : index
      %swap3A_81 = arith.constant 0 : index
      %swap3A_82 = vector.load %arg9[%swap3A_80, %swap3A_81] : memref<1x128xf32, #tpu.memory_space<vmem>>, vector<1x128xf32>
      tpu.vector_store %arg9[%swap3A_80, %swap3A_81], %broadcast_in_dim3A {strides = array<i32>} : memref<1x128xf32, #tpu.memory_space<vmem>>, vector<1x128xf32>,
      %broadcast_in_dim3A_83 = vector.broadcast %reduce_max3A_55 : f32 to vector<1x1xf32>
      %swap3A_84 = arith.constant 0 : index
      %swap3A_85 = arith.constant 0 : index
      %swap3A_86 = vector.load %arg10[%swap3A_84, %swap3A_85] : memref<1x1xf32, #tpu.memory_space<vmem>>, vector<1x1xf32>
      tpu.vector_store %arg10[%swap3A_84, %swap3A_85], %broadcast_in_dim3A_83 {strides = array<i32>} : memref<1x1xf32, #tpu.memory_space<vmem>>, vector<1x1xf32>,
      %swap3A_87 = arith.constant 0 : index
      %swap3A_88 = arith.constant 0 : index
      %swap3A_89 = vector.load %arg11[%swap3A_87, %swap3A_88] : memref<1x128xf32, #tpu.memory_space<vmem>>, vector<1x128xf32>
      tpu.vector_store %arg11[%swap3A_87, %swap3A_88], %broadcast_in_dim3A_68 {strides = array<i32>} : memref<1x128xf32, #tpu.memory_space<vmem>>, vector<1x128xf32>,
    } else {
    }
    %ne3A = arith.constant 0 : i32
    %ne3A_73 = arith.cmpi ne, %arg0, %ne3A : i32
    %convert_element_type3A_74 = arith.extui %ne3A_73 : i1 to i32
    %cond3A_75 = arith.constant 0 : i32
    %cond3A_76 = arith.cmpi ne, %convert_element_type3A_74, %cond3A_75 : i32
    scf.if %cond3A_76 {
      %get3A_77 = arith.constant 0 : index
      %get3A_78 = arith.constant 0 : index
      %get3A_79 = vector.load %arg8[%get3A_77, %get3A_78] : memref<128x128xf32, #tpu.memory_space<vmem>>, vector<128x128xf32>
      %add3A_80 = arith.addf %get3A_79, %dot_general3A_51 : vector<128x128xf32>
      %swap3A_81 = arith.constant 0 : index
      %swap3A_82 = arith.constant 0 : index
      %swap3A_83 = vector.load %arg8[%swap3A_81, %swap3A_82] : memref<128x128xf32, #tpu.memory_space<vmem>>, vector<128x128xf32>
      tpu.vector_store %arg8[%swap3A_81, %swap3A_82], %add3A_80 {strides = array<i32>} : memref<128x128xf32, #tpu.memory_space<vmem>>, vector<128x128xf32>,
      %get3A_84 = arith.constant 0 : index
      %get3A_85 = arith.constant 0 : index
      %get3A_86 = vector.load %arg9[%get3A_84, %get3A_85] : memref<1x128xf32, #tpu.memory_space<vmem>>, vector<1x128xf32>
      %add3A_87 = arith.addf %get3A_86, %broadcast_in_dim3A : vector<1x128xf32>
      %swap3A_88 = arith.constant 0 : index
      %swap3A_89 = arith.constant 0 : index
      %swap3A_90 = vector.load %arg9[%swap3A_88, %swap3A_89] : memref<1x128xf32, #tpu.memory_space<vmem>>, vector<1x128xf32>
      tpu.vector_store %arg9[%swap3A_88, %swap3A_89], %add3A_87 {strides = array<i32>} : memref<1x128xf32, #tpu.memory_space<vmem>>, vector<1x128xf32>,
      %get3A_91 = arith.constant 0 : index
      %get3A_92 = arith.constant 0 : index
      %get3A_93 = vector.load %arg10[%get3A_91, %get3A_92] : memref<1x1xf32, #tpu.memory_space<vmem>>, vector<1x1xf32>
      %get3A_94 = vector.extract %get3A_93[0, 0] : f32 from vector<1x1xf32>
      %gt3A = arith.cmpf ogt, %reduce_max3A_55, %get3A_94 : f32
      %select_n3A_95 = arith.select %gt3A, %reduce_max3A_55, %get3A_94 : f32
      %broadcast_in_dim3A_96 = vector.broadcast %select_n3A_95 : f32 to vector<1x1xf32>
      %swap3A_97 = arith.constant 0 : index
      %swap3A_98 = arith.constant 0 : index
      %swap3A_99 = vector.load %arg10[%swap3A_97, %swap3A_98] : memref<1x1xf32, #tpu.memory_space<vmem>>, vector<1x1xf32>
      tpu.vector_store %arg10[%swap3A_97, %swap3A_98], %broadcast_in_dim3A_96 {strides = array<i32>} : memref<1x1xf32, #tpu.memory_space<vmem>>, vector<1x1xf32>,
      %get3A_100 = arith.constant 0 : index
      %get3A_101 = arith.constant 0 : index
      %get3A_102 = vector.load %arg11[%get3A_100, %get3A_101] : memref<1x128xf32, #tpu.memory_space<vmem>>, vector<1x128xf32>
      %select_n3A_103 = arith.select %gt3A, %broadcast_in_dim3A_68, %get3A_102 : vector<1x128xf32>
      %swap3A_104 = arith.constant 0 : index
      %swap3A_105 = arith.constant 0 : index
      %swap3A_106 = vector.load %arg11[%swap3A_104, %swap3A_105] : memref<1x128xf32, #tpu.memory_space<vmem>>, vector<1x128xf32>
      tpu.vector_store %arg11[%swap3A_104, %swap3A_105], %select_n3A_103 {strides = array<i32>} : memref<1x128xf32, #tpu.memory_space<vmem>>, vector<1x128xf32>,
    } else {
    }
    return
  }
  func.func @transform_0(%arg0: i32) -> (i32, i32, i32) {
    %c0_i32 = arith.constant 0 : i32
    %c0_i32_0 = arith.constant 0 : i32
    %c0_i32_1 = arith.constant 0 : i32
    return %c0_i32, %arg0, %c0_i32_0 : i32, i32, i32
  }
  func.func @transform_1(%arg0: i32) -> (i32, i32, i32) {
    %c0_i32 = arith.constant 0 : i32
    %c0_i32_0 = arith.constant 0 : i32
    %c0_i32_1 = arith.constant 0 : i32
    return %c0_i32, %arg0, %c0_i32_0 : i32, i32, i32
  }
  func.func @transform_2(%arg0: i32) -> (i32, i32) {
    %c0_i32 = arith.constant 0 : i32
    %c0_i32_0 = arith.constant 0 : i32
    return %arg0, %c0_i32 : i32, i32
  }
  func.func @transform_3(%arg0: i32) -> (i32, i32) {
    %c0_i32 = arith.constant 0 : i32
    %c0_i32_0 = arith.constant 0 : i32
    %c0_i32_1 = arith.constant 0 : i32
    return %c0_i32, %c0_i32_0 : i32, i32
  }
  func.func @transform_4(%arg0: i32) -> (i32, i32) {
    %c0_i32 = arith.constant 0 : i32
    %c0_i32_0 = arith.constant 0 : i32
    %c0_i32_1 = arith.constant 0 : i32
    return %c0_i32, %c0_i32_0 : i32, i32
  }
  func.func @transform_5(%arg0: i32) -> (i32, i32) {
    %c0_i32 = arith.constant 0 : i32
    %c0_i32_0 = arith.constant 0 : i32
    %c0_i32_1 = arith.constant 0 : i32
    return %c0_i32, %c0_i32_0 : i32, i32
  }
  func.func @transform_6(%arg0: i32) -> (i32, i32) {
    %c0_i32 = arith.constant 0 : i32
    %c0_i32_0 = arith.constant 0 : i32
    return %arg0, %c0_i32 : i32, i32
  }
  func.func @transform_7(%arg0: i32) -> (i32, i32) {
    %c0_i32 = arith.constant 0 : i32
    %c0_i32_0 = arith.constant 0 : i32
    %c0_i32_1 = arith.constant 0 : i32
    return %c0_i32, %c0_i32_0 : i32, i32
  }
  func.func @transform_8(%arg0: i32) -> (i32, i32) {
    %c0_i32 = arith.constant 0 : i32
    %c0_i32_0 = arith.constant 0 : i32
    %c0_i32_1 = arith.constant 0 : i32
    return %c0_i32, %c0_i32_0 : i32, i32
  }
  func.func @transform_9(%arg0: i32) -> (i32, i32) {
    %c0_i32 = arith.constant 0 : i32
    %c0_i32_0 = arith.constant 0 : i32
    %c0_i32_1 = arith.constant 0 : i32
    return %c0_i32, %c0_i32_0 : i32, i32
  }
  func.func @transform_10(%arg0: i32) -> (i32, i32) {
    %c0_i32 = arith.constant 0 : i32
    %c0_i32_0 = arith.constant 0 : i32
    %c0_i32_1 = arith.constant 0 : i32
    return %c0_i32, %c0_i32_0 : i32, i32
  }
}

module attributes {stable_mosaic.version = 14 : i64} {
  func.func @_rankdiff_body(%arg0: memref<128x128xf32, #tpu.memory_space<vmem>>, %arg1: memref<1x128xf32, #tpu.memory_space<vmem>>, %arg2: memref<1x128xf32, #tpu.memory_space<vmem>>, %arg3: memref<1x1xf32, #tpu.memory_space<vmem>>) attributes {dimension_semantics = [], scalar_prefetch = 0 : i64, scratch_operands = 0 : i64, tpu.core_type = #tpu.core_type<tc>} {
    %get3A = arith.constant 0 : index
    %get3A_0 = arith.constant 0 : index
    %get3A_1 = vector.load %arg0[%get3A, %get3A_0] : memref<128x128xf32, #tpu.memory_space<vmem>>, vector<128x128xf32>
    %iota3A = tpu.iota {dimensions = array<i32: 0>} : vector<128x128xi32>
    %iota3A_2 = tpu.iota {dimensions = array<i32: 1>} : vector<128x128xi32>
    %eq3A = arith.cmpi eq, %iota3A, %iota3A_2 : vector<128x128xi32>
    %convert_element_type3A = arith.extui %eq3A : vector<128x128xi1> to vector<128x128xi32>
    %convert_element_type3A_3 = arith.sitofp %convert_element_type3A : vector<128x128xi32> to vector<128x128xf32>
    %mul3A = arith.mulf %get3A_1, %convert_element_type3A_3 : vector<128x128xf32>
    %reduce_sum3A = vector.shape_cast %mul3A : vector<128x128xf32> to vector<1x128x128xf32>
    %reduce_sum3A_4 = arith.constant dense<0.000000e+00> : vector<1xf32>
    %reduce_sum3A_5 = vector.multi_reduction <add>, %reduce_sum3A, %reduce_sum3A_4 [1, 2] : vector<1x128x128xf32> to vector<1xf32>
    %reduce_sum3A_6 = vector.shape_cast %reduce_sum3A_5 : vector<1xf32> to vector<1x1x1xf32>
    %reduce_sum3A_7 = vector.extract %reduce_sum3A_6[0, 0, 0] : f32 from vector<1x1x1xf32>
    %max3A = arith.constant 1.000000e-30 : f32
    %max3A_8 = arith.maximumf %reduce_sum3A_7, %max3A : f32
    %div3A = vector.broadcast %max3A_8 : f32 to vector<128x128xf32>
    %div3A_9 = arith.divf %get3A_1, %div3A : vector<128x128xf32>
    %scan3A = arith.constant 0 : i32
    %scan3A_10 = arith.constant 22 : i32
    %scan3A_11 = arith.addi %scan3A, %scan3A_10 : i32
    %scan3A_12 = arith.constant 1 : i32
    %scan3A_13:2 = scf.for %scan3A_109 = %scan3A to %scan3A_11 step %scan3A_12 iter_args(%scan3A_110 = %div3A_9, %scan3A_111 = %convert_element_type3A_3) -> (vector<128x128xf32>, vector<128x128xf32>)  : i32 {
      %mul3A_112 = arith.constant 3.000000e+00 : f32
      %mul3A_113 = vector.broadcast %mul3A_112 : f32 to vector<128x128xf32>
      %mul3A_114 = arith.mulf %mul3A_113, %convert_element_type3A_3 : vector<128x128xf32>
      %dot_general3A_115 = arith.constant dense<0.000000e+00> : vector<128x128xf32>
      %dot_general3A_116 = tpu.matmul %scan3A_111, %scan3A_110, %dot_general3A_115 {dimension_numbers = #tpu.dot_dimension_numbers<[1], [0], [0], [1], [0, 0, 1, 1], [], []>, precision = #tpu.contract_precision<fp32>, transpose_lhs_hint = false} : vector<128x128xf32>, vector<128x128xf32>, vector<128x128xf32> -> vector<128x128xf32>
      %sub3A_117 = arith.subf %mul3A_114, %dot_general3A_116 : vector<128x128xf32>
      %dot_general3A_118 = arith.constant dense<0.000000e+00> : vector<128x128xf32>
      %dot_general3A_119 = tpu.matmul %scan3A_110, %sub3A_117, %dot_general3A_118 {dimension_numbers = #tpu.dot_dimension_numbers<[1], [0], [0], [1], [0, 0, 1, 1], [], []>, precision = #tpu.contract_precision<fp32>, transpose_lhs_hint = false} : vector<128x128xf32>, vector<128x128xf32>, vector<128x128xf32> -> vector<128x128xf32>
      %mul3A_120 = arith.constant 5.000000e-01 : f32
      %mul3A_121 = vector.broadcast %mul3A_120 : f32 to vector<128x128xf32>
      %mul3A_122 = arith.mulf %mul3A_121, %dot_general3A_119 : vector<128x128xf32>
      %dot_general3A_123 = arith.constant dense<0.000000e+00> : vector<128x128xf32>
      %dot_general3A_124 = tpu.matmul %sub3A_117, %scan3A_111, %dot_general3A_123 {dimension_numbers = #tpu.dot_dimension_numbers<[1], [0], [0], [1], [0, 0, 1, 1], [], []>, precision = #tpu.contract_precision<fp32>, transpose_lhs_hint = false} : vector<128x128xf32>, vector<128x128xf32>, vector<128x128xf32> -> vector<128x128xf32>
      %mul3A_125 = arith.constant 5.000000e-01 : f32
      %mul3A_126 = vector.broadcast %mul3A_125 : f32 to vector<128x128xf32>
      %mul3A_127 = arith.mulf %mul3A_126, %dot_general3A_124 : vector<128x128xf32>
      scf.yield %mul3A_122, %mul3A_127 : vector<128x128xf32>, vector<128x128xf32>
    }
    %sqrt3A = math.sqrt %max3A_8 : f32
    %mul3A_14 = arith.mulf %scan3A_13#0, %convert_element_type3A_3 : vector<128x128xf32>
    %reduce_sum3A_15 = vector.shape_cast %mul3A_14 : vector<128x128xf32> to vector<1x128x128xf32>
    %reduce_sum3A_16 = arith.constant dense<0.000000e+00> : vector<1xf32>
    %reduce_sum3A_17 = vector.multi_reduction <add>, %reduce_sum3A_15, %reduce_sum3A_16 [1, 2] : vector<1x128x128xf32> to vector<1xf32>
    %reduce_sum3A_18 = vector.shape_cast %reduce_sum3A_17 : vector<1xf32> to vector<1x1x1xf32>
    %reduce_sum3A_19 = vector.extract %reduce_sum3A_18[0, 0, 0] : f32 from vector<1x1x1xf32>
    %mul3A_20 = arith.mulf %sqrt3A, %reduce_sum3A_19 : f32
    %get3A_21 = arith.constant 0 : index
    %get3A_22 = arith.constant 0 : index
    %get3A_23 = vector.load %arg2[%get3A_21, %get3A_22] : memref<1x128xf32, #tpu.memory_space<vmem>>, vector<1x128xf32>
    %iota3A_24 = tpu.iota {dimensions = array<i32: 1>} : vector<1x128xi32>
    %reduce_max3A = vector.shape_cast %get3A_23 : vector<1x128xf32> to vector<1x1x128xf32>
    %reduce_max3A_25 = arith.constant dense<0xFF800000> : vector<1xf32>
    %reduce_max3A_26 = vector.multi_reduction <maximumf>, %reduce_max3A, %reduce_max3A_25 [1, 2] : vector<1x1x128xf32> to vector<1xf32>
    %reduce_max3A_27 = vector.shape_cast %reduce_max3A_26 : vector<1xf32> to vector<1x1x1xf32>
    %reduce_max3A_28 = vector.extract %reduce_max3A_27[0, 0, 0] : f32 from vector<1x1x1xf32>
    %eq3A_29 = vector.broadcast %reduce_max3A_28 : f32 to vector<1x128xf32>
    %eq3A_30 = arith.cmpf oeq, %get3A_23, %eq3A_29 : vector<1x128xf32>
    %jit3A = arith.constant 128 : i32
    %broadcast_in_dim3A = vector.broadcast %jit3A : i32 to vector<1x128xi32>
    %select_n3A = arith.select %eq3A_30, %iota3A_24, %broadcast_in_dim3A : vector<1x128xi1>, vector<1x128xi32>
    %reduce_min3A = vector.shape_cast %select_n3A : vector<1x128xi32> to vector<1x1x128xi32>
    %reduce_min3A_31 = arith.constant dense<2147483647> : vector<1xi32>
    %reduce_min3A_32 = vector.multi_reduction <minsi>, %reduce_min3A, %reduce_min3A_31 [1, 2] : vector<1x1x128xi32> to vector<1xi32>
    %reduce_min3A_33 = vector.shape_cast %reduce_min3A_32 : vector<1xi32> to vector<1x1x1xi32>
    %reduce_min3A_34 = vector.extract %reduce_min3A_33[0, 0, 0] : i32 from vector<1x1x1xi32>
    %eq3A_35 = vector.broadcast %reduce_min3A_34 : i32 to vector<1x128xi32>
    %eq3A_36 = arith.cmpi eq, %iota3A_24, %eq3A_35 : vector<1x128xi32>
    %convert_element_type3A_37 = arith.extui %eq3A_36 : vector<1x128xi1> to vector<1x128xi32>
    %convert_element_type3A_38 = arith.sitofp %convert_element_type3A_37 : vector<1x128xi32> to vector<1x128xf32>
    %dot_general3A = arith.constant dense<0.000000e+00> : vector<1x128xf32>
    %dot_general3A_39 = tpu.matmul %convert_element_type3A_38, %get3A_1, %dot_general3A {dimension_numbers = #tpu.dot_dimension_numbers<[1], [0], [0], [1], [0, 0, 1, 1], [], []>, precision = #tpu.contract_precision<fp32>, transpose_lhs_hint = false} : vector<1x128xf32>, vector<128x128xf32>, vector<1x128xf32> -> vector<1x128xf32>
    %mul3A_40 = arith.mulf %dot_general3A_39, %convert_element_type3A_38 : vector<1x128xf32>
    %reduce_sum3A_41 = vector.shape_cast %mul3A_40 : vector<1x128xf32> to vector<1x1x128xf32>
    %reduce_sum3A_42 = arith.constant dense<0.000000e+00> : vector<1xf32>
    %reduce_sum3A_43 = vector.multi_reduction <add>, %reduce_sum3A_41, %reduce_sum3A_42 [1, 2] : vector<1x1x128xf32> to vector<1xf32>
    %reduce_sum3A_44 = vector.shape_cast %reduce_sum3A_43 : vector<1xf32> to vector<1x1x1xf32>
    %reduce_sum3A_45 = vector.extract %reduce_sum3A_44[0, 0, 0] : f32 from vector<1x1x1xf32>
    %get3A_46 = arith.constant 0 : index
    %get3A_47 = arith.constant 0 : index
    %get3A_48 = vector.load %arg1[%get3A_46, %get3A_47] : memref<1x128xf32, #tpu.memory_space<vmem>>, vector<1x128xf32>
    %mul3A_49 = arith.mulf %get3A_48, %convert_element_type3A_38 : vector<1x128xf32>
    %reduce_sum3A_50 = vector.shape_cast %mul3A_49 : vector<1x128xf32> to vector<1x1x128xf32>
    %reduce_sum3A_51 = arith.constant dense<0.000000e+00> : vector<1xf32>
    %reduce_sum3A_52 = vector.multi_reduction <add>, %reduce_sum3A_50, %reduce_sum3A_51 [1, 2] : vector<1x1x128xf32> to vector<1xf32>
    %reduce_sum3A_53 = vector.shape_cast %reduce_sum3A_52 : vector<1xf32> to vector<1x1x1xf32>
    %reduce_sum3A_54 = vector.extract %reduce_sum3A_53[0, 0, 0] : f32 from vector<1x1x1xf32>
    %lt3A = arith.constant 0.000000e+00 : f32
    %lt3A_55 = arith.cmpf olt, %reduce_sum3A_54, %lt3A : f32
    %jit3A_56 = arith.constant -1.000000e+00 : f32
    %jit3A_57 = arith.constant 1.000000e+00 : f32
    %select_n3A_58 = arith.select %lt3A_55, %jit3A_56, %jit3A_57 : f32
    %mul3A_59 = vector.broadcast %select_n3A_58 : f32 to vector<1x128xf32>
    %mul3A_60 = arith.mulf %mul3A_59, %get3A_48 : vector<1x128xf32>
    %mul3A_61 = arith.mulf %get3A_48, %get3A_48 : vector<1x128xf32>
    %reduce_sum3A_62 = vector.shape_cast %mul3A_61 : vector<1x128xf32> to vector<1x1x128xf32>
    %reduce_sum3A_63 = arith.constant dense<0.000000e+00> : vector<1xf32>
    %reduce_sum3A_64 = vector.multi_reduction <add>, %reduce_sum3A_62, %reduce_sum3A_63 [1, 2] : vector<1x1x128xf32> to vector<1xf32>
    %reduce_sum3A_65 = vector.shape_cast %reduce_sum3A_64 : vector<1xf32> to vector<1x1x1xf32>
    %reduce_sum3A_66 = vector.extract %reduce_sum3A_65[0, 0, 0] : f32 from vector<1x1x1xf32>
    %rsqrt3A = math.rsqrt %reduce_sum3A_66 : f32
    %mul3A_67 = vector.broadcast %rsqrt3A : f32 to vector<1x128xf32>
    %mul3A_68 = arith.mulf %mul3A_60, %mul3A_67 : vector<1x128xf32>
    %sqrt3A_69 = math.sqrt %reduce_sum3A_45 : f32
    %mul3A_70 = arith.mulf %mul3A_20, %sqrt3A_69 : f32
    %div3A_71 = vector.broadcast %mul3A_70 : f32 to vector<1x128xf32>
    %div3A_72 = arith.divf %dot_general3A_39, %div3A_71 : vector<1x128xf32>
    %mul3A_73 = arith.mulf %mul3A_20, %mul3A_20 : f32
    %div3A_74 = vector.broadcast %mul3A_73 : f32 to vector<128x128xf32>
    %div3A_75 = arith.divf %get3A_1, %div3A_74 : vector<128x128xf32>
    %dot_general3A_76 = arith.constant dense<0.000000e+00> : vector<128x128xf32>
    %dot_general3A_77 = tpu.matmul %div3A_72, %mul3A_68, %dot_general3A_76 {dimension_numbers = #tpu.dot_dimension_numbers<[0], [0], [1], [1], [0, 1, 1, 1], [], []>, precision = #tpu.contract_precision<fp32>, transpose_lhs_hint = false} : vector<1x128xf32>, vector<1x128xf32>, vector<128x128xf32> -> vector<128x128xf32>
    %sub3A = arith.subf %div3A_75, %dot_general3A_77 : vector<128x128xf32>
    %dot_general3A_78 = arith.constant dense<0.000000e+00> : vector<128x128xf32>
    %dot_general3A_79 = tpu.matmul %mul3A_68, %div3A_72, %dot_general3A_78 {dimension_numbers = #tpu.dot_dimension_numbers<[0], [0], [1], [1], [0, 1, 1, 1], [], []>, precision = #tpu.contract_precision<fp32>, transpose_lhs_hint = false} : vector<1x128xf32>, vector<1x128xf32>, vector<128x128xf32> -> vector<128x128xf32>
    %sub3A_80 = arith.subf %sub3A, %dot_general3A_79 : vector<128x128xf32>
    %dot_general3A_81 = arith.constant dense<0.000000e+00> : vector<128x128xf32>
    %dot_general3A_82 = tpu.matmul %mul3A_68, %mul3A_68, %dot_general3A_81 {dimension_numbers = #tpu.dot_dimension_numbers<[0], [0], [1], [1], [0, 1, 1, 1], [], []>, precision = #tpu.contract_precision<fp32>, transpose_lhs_hint = false} : vector<1x128xf32>, vector<1x128xf32>, vector<128x128xf32> -> vector<128x128xf32>
    %add3A = arith.addf %sub3A_80, %dot_general3A_82 : vector<128x128xf32>
    %mul3A_83 = arith.mulf %add3A, %convert_element_type3A_3 : vector<128x128xf32>
    %reduce_sum3A_84 = vector.shape_cast %mul3A_83 : vector<128x128xf32> to vector<1x128x128xf32>
    %reduce_sum3A_85 = arith.constant dense<0.000000e+00> : vector<1xf32>
    %reduce_sum3A_86 = vector.multi_reduction <add>, %reduce_sum3A_84, %reduce_sum3A_85 [1, 2] : vector<1x128x128xf32> to vector<1xf32>
    %reduce_sum3A_87 = vector.shape_cast %reduce_sum3A_86 : vector<1xf32> to vector<1x1x1xf32>
    %reduce_sum3A_88 = vector.extract %reduce_sum3A_87[0, 0, 0] : f32 from vector<1x1x1xf32>
    %max3A_89 = arith.constant 1.000000e-30 : f32
    %max3A_90 = arith.maximumf %reduce_sum3A_88, %max3A_89 : f32
    %div3A_91 = vector.broadcast %max3A_90 : f32 to vector<128x128xf32>
    %div3A_92 = arith.divf %add3A, %div3A_91 : vector<128x128xf32>
    %scan3A_93 = arith.constant 0 : i32
    %scan3A_94 = arith.constant 22 : i32
    %scan3A_95 = arith.addi %scan3A_93, %scan3A_94 : i32
    %scan3A_96 = arith.constant 1 : i32
    %scan3A_97:2 = scf.for %scan3A_109 = %scan3A_93 to %scan3A_95 step %scan3A_96 iter_args(%scan3A_110 = %div3A_92, %scan3A_111 = %convert_element_type3A_3) -> (vector<128x128xf32>, vector<128x128xf32>)  : i32 {
      %mul3A_112 = arith.constant 3.000000e+00 : f32
      %mul3A_113 = vector.broadcast %mul3A_112 : f32 to vector<128x128xf32>
      %mul3A_114 = arith.mulf %mul3A_113, %convert_element_type3A_3 : vector<128x128xf32>
      %dot_general3A_115 = arith.constant dense<0.000000e+00> : vector<128x128xf32>
      %dot_general3A_116 = tpu.matmul %scan3A_111, %scan3A_110, %dot_general3A_115 {dimension_numbers = #tpu.dot_dimension_numbers<[1], [0], [0], [1], [0, 0, 1, 1], [], []>, precision = #tpu.contract_precision<fp32>, transpose_lhs_hint = false} : vector<128x128xf32>, vector<128x128xf32>, vector<128x128xf32> -> vector<128x128xf32>
      %sub3A_117 = arith.subf %mul3A_114, %dot_general3A_116 : vector<128x128xf32>
      %dot_general3A_118 = arith.constant dense<0.000000e+00> : vector<128x128xf32>
      %dot_general3A_119 = tpu.matmul %scan3A_110, %sub3A_117, %dot_general3A_118 {dimension_numbers = #tpu.dot_dimension_numbers<[1], [0], [0], [1], [0, 0, 1, 1], [], []>, precision = #tpu.contract_precision<fp32>, transpose_lhs_hint = false} : vector<128x128xf32>, vector<128x128xf32>, vector<128x128xf32> -> vector<128x128xf32>
      %mul3A_120 = arith.constant 5.000000e-01 : f32
      %mul3A_121 = vector.broadcast %mul3A_120 : f32 to vector<128x128xf32>
      %mul3A_122 = arith.mulf %mul3A_121, %dot_general3A_119 : vector<128x128xf32>
      %dot_general3A_123 = arith.constant dense<0.000000e+00> : vector<128x128xf32>
      %dot_general3A_124 = tpu.matmul %sub3A_117, %scan3A_111, %dot_general3A_123 {dimension_numbers = #tpu.dot_dimension_numbers<[1], [0], [0], [1], [0, 0, 1, 1], [], []>, precision = #tpu.contract_precision<fp32>, transpose_lhs_hint = false} : vector<128x128xf32>, vector<128x128xf32>, vector<128x128xf32> -> vector<128x128xf32>
      %mul3A_125 = arith.constant 5.000000e-01 : f32
      %mul3A_126 = vector.broadcast %mul3A_125 : f32 to vector<128x128xf32>
      %mul3A_127 = arith.mulf %mul3A_126, %dot_general3A_124 : vector<128x128xf32>
      scf.yield %mul3A_122, %mul3A_127 : vector<128x128xf32>, vector<128x128xf32>
    }
    %sqrt3A_98 = math.sqrt %max3A_90 : f32
    %mul3A_99 = arith.mulf %scan3A_97#0, %convert_element_type3A_3 : vector<128x128xf32>
    %reduce_sum3A_100 = vector.shape_cast %mul3A_99 : vector<128x128xf32> to vector<1x128x128xf32>
    %reduce_sum3A_101 = arith.constant dense<0.000000e+00> : vector<1xf32>
    %reduce_sum3A_102 = vector.multi_reduction <add>, %reduce_sum3A_100, %reduce_sum3A_101 [1, 2] : vector<1x128x128xf32> to vector<1xf32>
    %reduce_sum3A_103 = vector.shape_cast %reduce_sum3A_102 : vector<1xf32> to vector<1x1x1xf32>
    %reduce_sum3A_104 = vector.extract %reduce_sum3A_103[0, 0, 0] : f32 from vector<1x1x1xf32>
    %mul3A_105 = arith.mulf %sqrt3A_98, %reduce_sum3A_104 : f32
    %broadcast_in_dim3A_106 = vector.broadcast %mul3A_105 : f32 to vector<1x1xf32>
    %swap3A = arith.constant 0 : index
    %swap3A_107 = arith.constant 0 : index
    %swap3A_108 = vector.load %arg3[%swap3A, %swap3A_107] : memref<1x1xf32, #tpu.memory_space<vmem>>, vector<1x1xf32>
    tpu.vector_store %arg3[%swap3A, %swap3A_107], %broadcast_in_dim3A_106 {strides = array<i32>} : memref<1x1xf32, #tpu.memory_space<vmem>>, vector<1x1xf32>,
    return
  }
}

module attributes {stable_mosaic.version = 14 : i64} {
  func.func @_conv_body(%arg0: i32, %arg1: memref<2x1000x128xf32, #tpu.memory_space<vmem>>, %arg2: memref<2x1000x128xf32, #tpu.memory_space<vmem>>, %arg3: memref<1000x128xf32, #tpu.memory_space<vmem>>, %arg4: memref<128x128xf32, #tpu.memory_space<vmem>>, %arg5: memref<128x128xf32, #tpu.memory_space<vmem>>, %arg6: memref<1x128xf32, #tpu.memory_space<vmem>>, %arg7: memref<1000x128xf32, #tpu.memory_space<vmem>>, %arg8: memref<128x128xf32, #tpu.memory_space<vmem>>, %arg9: memref<1x128xf32, #tpu.memory_space<vmem>>, %arg10: memref<1x1xf32, #tpu.memory_space<vmem>>, %arg11: memref<1x128xf32, #tpu.memory_space<vmem>>) attributes {dimension_semantics = [#tpu.dimension_semantics<arbitrary>], iteration_bounds = array<i64: 10>, scalar_prefetch = 0 : i64, scratch_operands = 0 : i64, tpu.core_type = #tpu.core_type<tc>, window_params = [{transform_indices = @transform_0, window_bounds = array<i64: 2, 1000, 128>}, {transform_indices = @transform_1, window_bounds = array<i64: 2, 1000, 128>}, {transform_indices = @transform_2, window_bounds = array<i64: 1000, 128>}, {pipeline_mode = #tpu.pipeline_mode<synchronous>, transform_indices = @transform_3, window_bounds = array<i64: 128, 128>}, {pipeline_mode = #tpu.pipeline_mode<synchronous>, transform_indices = @transform_4, window_bounds = array<i64: 128, 128>}, {pipeline_mode = #tpu.pipeline_mode<synchronous>, transform_indices = @transform_5, window_bounds = array<i64: 1, 128>}, {transform_indices = @transform_6, window_bounds = array<i64: 1000, 128>}, {pipeline_mode = #tpu.pipeline_mode<synchronous>, transform_indices = @transform_7, window_bounds = array<i64: 128, 128>}, {pipeline_mode = #tpu.pipeline_mode<synchronous>, transform_indices = @transform_8, window_bounds = array<i64: 1, 128>}, {pipeline_mode = #tpu.pipeline_mode<synchronous>, transform_indices = @transform_9, window_bounds = array<i64: 1, 1>}, {pipeline_mode = #tpu.pipeline_mode<synchronous>, transform_indices = @transform_10, window_bounds = array<i64: 1, 128>}]} {
    %get3A = arith.constant 0 : index
    %get3A_0 = arith.constant 0 : index
    %get3A_1 = arith.constant 0 : index
    %get3A_2 = vector.load %arg1[%get3A, %get3A_0, %get3A_1] : memref<2x1000x128xf32, #tpu.memory_space<vmem>>, vector<1x1000x128xf32>
    %get3A_3 = vector.shape_cast %get3A_2 : vector<1x1000x128xf32> to vector<1000x128xf32>
    %get3A_4 = arith.constant 1 : index
    %get3A_5 = arith.constant 0 : index
    %get3A_6 = arith.constant 0 : index
    %get3A_7 = vector.load %arg1[%get3A_4, %get3A_5, %get3A_6] : memref<2x1000x128xf32, #tpu.memory_space<vmem>>, vector<1x1000x128xf32>
    %get3A_8 = vector.shape_cast %get3A_7 : vector<1x1000x128xf32> to vector<1000x128xf32>
    %add3A = arith.addf %get3A_3, %get3A_8 : vector<1000x128xf32>
    %get3A_9 = arith.constant 0 : index
    %get3A_10 = arith.constant 0 : index
    %get3A_11 = arith.constant 0 : index
    %get3A_12 = vector.load %arg2[%get3A_9, %get3A_10, %get3A_11] : memref<2x1000x128xf32, #tpu.memory_space<vmem>>, vector<1x1000x1xf32>
    %get3A_13 = vector.shape_cast %get3A_12 : vector<1x1000x1xf32> to vector<1000x1xf32>
    %get3A_14 = arith.constant 1 : index
    %get3A_15 = arith.constant 0 : index
    %get3A_16 = arith.constant 0 : index
    %get3A_17 = vector.load %arg2[%get3A_14, %get3A_15, %get3A_16] : memref<2x1000x128xf32, #tpu.memory_space<vmem>>, vector<1x1000x1xf32>
    %get3A_18 = vector.shape_cast %get3A_17 : vector<1x1000x1xf32> to vector<1000x1xf32>
    %add3A_19 = arith.addf %get3A_13, %get3A_18 : vector<1000x1xf32>
    %max3A = arith.constant 1.000000e+00 : f32
    %max3A_20 = vector.broadcast %max3A : f32 to vector<1000x1xf32>
    %max3A_21 = arith.maximumf %add3A_19, %max3A_20 : vector<1000x1xf32>
    %div3A = vector.broadcast %max3A_21 : vector<1000x1xf32> to vector<1000x128xf32>
    %div3A_22 = arith.divf %add3A, %div3A : vector<1000x128xf32>
    %get3A_23 = arith.constant 0 : index
    %get3A_24 = arith.constant 0 : index
    %get3A_25 = vector.load %arg4[%get3A_23, %get3A_24] : memref<128x128xf32, #tpu.memory_space<vmem>>, vector<128x128xf32>
    %dot_general3A = arith.constant dense<0.000000e+00> : vector<1000x128xf32>
    %dot_general3A_26 = tpu.matmul %div3A_22, %get3A_25, %dot_general3A {dimension_numbers = #tpu.dot_dimension_numbers<[1], [0], [0], [1], [0, 0, 1, 1], [], []>, precision = #tpu.contract_precision<fp32>, transpose_lhs_hint = false} : vector<1000x128xf32>, vector<128x128xf32>, vector<1000x128xf32> -> vector<1000x128xf32>
    %get3A_27 = arith.constant 0 : index
    %get3A_28 = arith.constant 0 : index
    %get3A_29 = vector.load %arg3[%get3A_27, %get3A_28] : memref<1000x128xf32, #tpu.memory_space<vmem>>, vector<1000x128xf32>
    %get3A_30 = arith.constant 0 : index
    %get3A_31 = arith.constant 0 : index
    %get3A_32 = vector.load %arg5[%get3A_30, %get3A_31] : memref<128x128xf32, #tpu.memory_space<vmem>>, vector<128x128xf32>
    %dot_general3A_33 = arith.constant dense<0.000000e+00> : vector<1000x128xf32>
    %dot_general3A_34 = tpu.matmul %get3A_29, %get3A_32, %dot_general3A_33 {dimension_numbers = #tpu.dot_dimension_numbers<[1], [0], [0], [1], [0, 0, 1, 1], [], []>, precision = #tpu.contract_precision<fp32>, transpose_lhs_hint = false} : vector<1000x128xf32>, vector<128x128xf32>, vector<1000x128xf32> -> vector<1000x128xf32>
    %add3A_35 = arith.addf %dot_general3A_26, %dot_general3A_34 : vector<1000x128xf32>
    %get3A_36 = arith.constant 0 : index
    %get3A_37 = arith.constant 0 : index
    %get3A_38 = vector.load %arg6[%get3A_36, %get3A_37] : memref<1x128xf32, #tpu.memory_space<vmem>>, vector<1x128xf32>
    %add3A_39 = vector.broadcast %get3A_38 : vector<1x128xf32> to vector<1000x128xf32>
    %add3A_40 = arith.addf %add3A_35, %add3A_39 : vector<1000x128xf32>
    %swap3A = arith.constant 0 : index
    %swap3A_41 = arith.constant 0 : index
    %swap3A_42 = vector.load %arg7[%swap3A, %swap3A_41] : memref<1000x128xf32, #tpu.memory_space<vmem>>, vector<1000x128xf32>
    tpu.vector_store %arg7[%swap3A, %swap3A_41], %add3A_40 {strides = array<i32>} : memref<1000x128xf32, #tpu.memory_space<vmem>>, vector<1000x128xf32>,
    %abs3A = math.absf %add3A_40 : vector<1000x128xf32>
    %reduce_sum3A = arith.constant dense<0.000000e+00> : vector<128xf32>
    %reduce_sum3A_43 = vector.multi_reduction <add>, %abs3A, %reduce_sum3A [0] : vector<1000x128xf32> to vector<128xf32>
    %broadcast_in_dim3A = vector.shape_cast %reduce_sum3A_43 : vector<128xf32> to vector<1x128xf32>
    %reduce_sum3A_44 = arith.constant dense<0.000000e+00> : vector<1000xf32>
    %reduce_sum3A_45 = vector.multi_reduction <add>, %abs3A, %reduce_sum3A_44 [1] : vector<1000x128xf32> to vector<1000xf32>
    %broadcast_in_dim3A_46 = vector.shape_cast %reduce_sum3A_45 : vector<1000xf32> to vector<1000x1xf32>
    %dot_general3A_47 = arith.constant dense<0.000000e+00> : vector<128x128xf32>
    %dot_general3A_48 = tpu.matmul %add3A_40, %add3A_40, %dot_general3A_47 {dimension_numbers = #tpu.dot_dimension_numbers<[0], [0], [1], [1], [0, 1, 1, 1], [], []>, precision = #tpu.contract_precision<fp32>, transpose_lhs_hint = false} : vector<1000x128xf32>, vector<1000x128xf32>, vector<128x128xf32> -> vector<128x128xf32>
    %reduce_max3A = vector.shape_cast %broadcast_in_dim3A_46 : vector<1000x1xf32> to vector<1x1000x1xf32>
    %reduce_max3A_49 = arith.constant dense<0xFF800000> : vector<1xf32>
    %reduce_max3A_50 = vector.multi_reduction <maximumf>, %reduce_max3A, %reduce_max3A_49 [1, 2] : vector<1x1000x1xf32> to vector<1xf32>
    %reduce_max3A_51 = vector.shape_cast %reduce_max3A_50 : vector<1xf32> to vector<1x1x1xf32>
    %reduce_max3A_52 = vector.extract %reduce_max3A_51[0, 0, 0] : f32 from vector<1x1x1xf32>
    %iota3A = tpu.iota {dimensions = array<i32: 0>} : vector<1000x1xi32>
    %eq3A = vector.broadcast %reduce_max3A_52 : f32 to vector<1000x1xf32>
    %eq3A_53 = arith.cmpf oeq, %broadcast_in_dim3A_46, %eq3A : vector<1000x1xf32>
    %jit3A = arith.constant 1000 : i32
    %broadcast_in_dim3A_54 = vector.broadcast %jit3A : i32 to vector<1000x1xi32>
    %select_n3A = arith.select %eq3A_53, %iota3A, %broadcast_in_dim3A_54 : vector<1000x1xi1>, vector<1000x1xi32>
    %reduce_min3A = vector.shape_cast %select_n3A : vector<1000x1xi32> to vector<1x1000x1xi32>
    %reduce_min3A_55 = arith.constant dense<2147483647> : vector<1xi32>
    %reduce_min3A_56 = vector.multi_reduction <minsi>, %reduce_min3A, %reduce_min3A_55 [1, 2] : vector<1x1000x1xi32> to vector<1xi32>
    %reduce_min3A_57 = vector.shape_cast %reduce_min3A_56 : vector<1xi32> to vector<1x1x1xi32>
    %reduce_min3A_58 = vector.extract %reduce_min3A_57[0, 0, 0] : i32 from vector<1x1x1xi32>
    %eq3A_59 = vector.broadcast %reduce_min3A_58 : i32 to vector<1000x1xi32>
    %eq3A_60 = arith.cmpi eq, %iota3A, %eq3A_59 : vector<1000x1xi32>
    %convert_element_type3A = arith.extui %eq3A_60 : vector<1000x1xi1> to vector<1000x1xi32>
    %convert_element_type3A_61 = arith.sitofp %convert_element_type3A : vector<1000x1xi32> to vector<1000x1xf32>
    %mul3A = vector.broadcast %convert_element_type3A_61 : vector<1000x1xf32> to vector<1000x128xf32>
    %mul3A_62 = arith.mulf %add3A_40, %mul3A : vector<1000x128xf32>
    %reduce_sum3A_63 = arith.constant dense<0.000000e+00> : vector<128xf32>
    %reduce_sum3A_64 = vector.multi_reduction <add>, %mul3A_62, %reduce_sum3A_63 [0] : vector<1000x128xf32> to vector<128xf32>
    %broadcast_in_dim3A_65 = vector.shape_cast %reduce_sum3A_64 : vector<128xf32> to vector<1x128xf32>
    %eq3A_66 = arith.constant 0 : i32
    %eq3A_67 = arith.cmpi eq, %arg0, %eq3A_66 : i32
    %convert_element_type3A_68 = arith.extui %eq3A_67 : i1 to i32
    %cond3A = arith.constant 0 : i32
    %cond3A_69 = arith.cmpi ne, %convert_element_type3A_68, %cond3A : i32
    scf.if %cond3A_69 {
      %swap3A_74 = arith.constant 0 : index
      %swap3A_75 = arith.constant 0 : index
      %swap3A_76 = vector.load %arg8[%swap3A_74, %swap3A_75] : memref<128x128xf32, #tpu.memory_space<vmem>>, vector<128x128xf32>
      tpu.vector_store %arg8[%swap3A_74, %swap3A_75], %dot_general3A_48 {strides = array<i32>} : memref<128x128xf32, #tpu.memory_space<vmem>>, vector<128x128xf32>,
      %swap3A_77 = arith.constant 0 : index
      %swap3A_78 = arith.constant 0 : index
      %swap3A_79 = vector.load %arg9[%swap3A_77, %swap3A_78] : memref<1x128xf32, #tpu.memory_space<vmem>>, vector<1x128xf32>
      tpu.vector_store %arg9[%swap3A_77, %swap3A_78], %broadcast_in_dim3A {strides = array<i32>} : memref<1x128xf32, #tpu.memory_space<vmem>>, vector<1x128xf32>,
      %broadcast_in_dim3A_80 = vector.broadcast %reduce_max3A_52 : f32 to vector<1x1xf32>
      %swap3A_81 = arith.constant 0 : index
      %swap3A_82 = arith.constant 0 : index
      %swap3A_83 = vector.load %arg10[%swap3A_81, %swap3A_82] : memref<1x1xf32, #tpu.memory_space<vmem>>, vector<1x1xf32>
      tpu.vector_store %arg10[%swap3A_81, %swap3A_82], %broadcast_in_dim3A_80 {strides = array<i32>} : memref<1x1xf32, #tpu.memory_space<vmem>>, vector<1x1xf32>,
      %swap3A_84 = arith.constant 0 : index
      %swap3A_85 = arith.constant 0 : index
      %swap3A_86 = vector.load %arg11[%swap3A_84, %swap3A_85] : memref<1x128xf32, #tpu.memory_space<vmem>>, vector<1x128xf32>
      tpu.vector_store %arg11[%swap3A_84, %swap3A_85], %broadcast_in_dim3A_65 {strides = array<i32>} : memref<1x128xf32, #tpu.memory_space<vmem>>, vector<1x128xf32>,
    } else {
    }
    %ne3A = arith.constant 0 : i32
    %ne3A_70 = arith.cmpi ne, %arg0, %ne3A : i32
    %convert_element_type3A_71 = arith.extui %ne3A_70 : i1 to i32
    %cond3A_72 = arith.constant 0 : i32
    %cond3A_73 = arith.cmpi ne, %convert_element_type3A_71, %cond3A_72 : i32
    scf.if %cond3A_73 {
      %get3A_74 = arith.constant 0 : index
      %get3A_75 = arith.constant 0 : index
      %get3A_76 = vector.load %arg8[%get3A_74, %get3A_75] : memref<128x128xf32, #tpu.memory_space<vmem>>, vector<128x128xf32>
      %add3A_77 = arith.addf %get3A_76, %dot_general3A_48 : vector<128x128xf32>
      %swap3A_78 = arith.constant 0 : index
      %swap3A_79 = arith.constant 0 : index
      %swap3A_80 = vector.load %arg8[%swap3A_78, %swap3A_79] : memref<128x128xf32, #tpu.memory_space<vmem>>, vector<128x128xf32>
      tpu.vector_store %arg8[%swap3A_78, %swap3A_79], %add3A_77 {strides = array<i32>} : memref<128x128xf32, #tpu.memory_space<vmem>>, vector<128x128xf32>,
      %get3A_81 = arith.constant 0 : index
      %get3A_82 = arith.constant 0 : index
      %get3A_83 = vector.load %arg9[%get3A_81, %get3A_82] : memref<1x128xf32, #tpu.memory_space<vmem>>, vector<1x128xf32>
      %add3A_84 = arith.addf %get3A_83, %broadcast_in_dim3A : vector<1x128xf32>
      %swap3A_85 = arith.constant 0 : index
      %swap3A_86 = arith.constant 0 : index
      %swap3A_87 = vector.load %arg9[%swap3A_85, %swap3A_86] : memref<1x128xf32, #tpu.memory_space<vmem>>, vector<1x128xf32>
      tpu.vector_store %arg9[%swap3A_85, %swap3A_86], %add3A_84 {strides = array<i32>} : memref<1x128xf32, #tpu.memory_space<vmem>>, vector<1x128xf32>,
      %get3A_88 = arith.constant 0 : index
      %get3A_89 = arith.constant 0 : index
      %get3A_90 = vector.load %arg10[%get3A_88, %get3A_89] : memref<1x1xf32, #tpu.memory_space<vmem>>, vector<1x1xf32>
      %get3A_91 = vector.extract %get3A_90[0, 0] : f32 from vector<1x1xf32>
      %gt3A = arith.cmpf ogt, %reduce_max3A_52, %get3A_91 : f32
      %select_n3A_92 = arith.select %gt3A, %reduce_max3A_52, %get3A_91 : f32
      %broadcast_in_dim3A_93 = vector.broadcast %select_n3A_92 : f32 to vector<1x1xf32>
      %swap3A_94 = arith.constant 0 : index
      %swap3A_95 = arith.constant 0 : index
      %swap3A_96 = vector.load %arg10[%swap3A_94, %swap3A_95] : memref<1x1xf32, #tpu.memory_space<vmem>>, vector<1x1xf32>
      tpu.vector_store %arg10[%swap3A_94, %swap3A_95], %broadcast_in_dim3A_93 {strides = array<i32>} : memref<1x1xf32, #tpu.memory_space<vmem>>, vector<1x1xf32>,
      %get3A_97 = arith.constant 0 : index
      %get3A_98 = arith.constant 0 : index
      %get3A_99 = vector.load %arg11[%get3A_97, %get3A_98] : memref<1x128xf32, #tpu.memory_space<vmem>>, vector<1x128xf32>
      %select_n3A_100 = arith.select %gt3A, %broadcast_in_dim3A_65, %get3A_99 : vector<1x128xf32>
      %swap3A_101 = arith.constant 0 : index
      %swap3A_102 = arith.constant 0 : index
      %swap3A_103 = vector.load %arg11[%swap3A_101, %swap3A_102] : memref<1x128xf32, #tpu.memory_space<vmem>>, vector<1x128xf32>
      tpu.vector_store %arg11[%swap3A_101, %swap3A_102], %select_n3A_100 {strides = array<i32>} : memref<1x128xf32, #tpu.memory_space<vmem>>, vector<1x128xf32>,
    } else {
    }
    return
  }
  func.func @transform_0(%arg0: i32) -> (i32, i32, i32) {
    %c0_i32 = arith.constant 0 : i32
    %c0_i32_0 = arith.constant 0 : i32
    %c0_i32_1 = arith.constant 0 : i32
    return %c0_i32, %arg0, %c0_i32_0 : i32, i32, i32
  }
  func.func @transform_1(%arg0: i32) -> (i32, i32, i32) {
    %c0_i32 = arith.constant 0 : i32
    %c0_i32_0 = arith.constant 0 : i32
    %c0_i32_1 = arith.constant 0 : i32
    return %c0_i32, %arg0, %c0_i32_0 : i32, i32, i32
  }
  func.func @transform_2(%arg0: i32) -> (i32, i32) {
    %c0_i32 = arith.constant 0 : i32
    %c0_i32_0 = arith.constant 0 : i32
    return %arg0, %c0_i32 : i32, i32
  }
  func.func @transform_3(%arg0: i32) -> (i32, i32) {
    %c0_i32 = arith.constant 0 : i32
    %c0_i32_0 = arith.constant 0 : i32
    %c0_i32_1 = arith.constant 0 : i32
    return %c0_i32, %c0_i32_0 : i32, i32
  }
  func.func @transform_4(%arg0: i32) -> (i32, i32) {
    %c0_i32 = arith.constant 0 : i32
    %c0_i32_0 = arith.constant 0 : i32
    %c0_i32_1 = arith.constant 0 : i32
    return %c0_i32, %c0_i32_0 : i32, i32
  }
  func.func @transform_5(%arg0: i32) -> (i32, i32) {
    %c0_i32 = arith.constant 0 : i32
    %c0_i32_0 = arith.constant 0 : i32
    %c0_i32_1 = arith.constant 0 : i32
    return %c0_i32, %c0_i32_0 : i32, i32
  }
  func.func @transform_6(%arg0: i32) -> (i32, i32) {
    %c0_i32 = arith.constant 0 : i32
    %c0_i32_0 = arith.constant 0 : i32
    return %arg0, %c0_i32 : i32, i32
  }
  func.func @transform_7(%arg0: i32) -> (i32, i32) {
    %c0_i32 = arith.constant 0 : i32
    %c0_i32_0 = arith.constant 0 : i32
    %c0_i32_1 = arith.constant 0 : i32
    return %c0_i32, %c0_i32_0 : i32, i32
  }
  func.func @transform_8(%arg0: i32) -> (i32, i32) {
    %c0_i32 = arith.constant 0 : i32
    %c0_i32_0 = arith.constant 0 : i32
    %c0_i32_1 = arith.constant 0 : i32
    return %c0_i32, %c0_i32_0 : i32, i32
  }
  func.func @transform_9(%arg0: i32) -> (i32, i32) {
    %c0_i32 = arith.constant 0 : i32
    %c0_i32_0 = arith.constant 0 : i32
    %c0_i32_1 = arith.constant 0 : i32
    return %c0_i32, %c0_i32_0 : i32, i32
  }
  func.func @transform_10(%arg0: i32) -> (i32, i32) {
    %c0_i32 = arith.constant 0 : i32
    %c0_i32_0 = arith.constant 0 : i32
    %c0_i32_1 = arith.constant 0 : i32
    return %c0_i32, %c0_i32_0 : i32, i32
  }
}

</mosaic_0001>

<sc_bundles>
// kernel: kernel.11.cloned.1.call-start
scs
__scs_entry_jumppad:
0x0: {  	(pc) =	sbr.rel $0x88, $3  }
0x1: {  	(tag) =	ssettag $0x0;
	lr =	simm.s32 $0x1  }
0x2: {  	[smem:$0x3F97] =	sst lr;
	_ =	strace $0xD0000000  }
0x3: {  	_ = 	snop  }
0x4: {  	_ = 	snop  }
0x5: {  	_ = 	snop  }
0x6: {  	_ = 	snop  }
0x7: {  	_ = 	snop  }
__scs_overlays_trampoline_lowered:
0x8: {  	[smem:$0x3FA6] =	sst s0  }
0x9: {  	[smem:$0x3FA7] =	sst s1  }
0xa: {  	[smem:$0x3FA8] =	sst s2  }
0xb: {  	[smem:$0x3FA9] =	sst s3  }
0xc: {  	[smem:$0x3FAA] =	sst s4  }
0xd: {  	[smem:$0x3FAB] =	sst s5  }
0xe: {  	[smem:$0x3FAC] =	sst s6  }
0xf: {  	[smem:$0x3FAD] =	sst s7  }
0x10: {  	[smem:$0x3FAE] =	sst s8  }
0x11: {  	[smem:$0x3FAF] =	sst s9;
	s0 =	simm.s32 @!p0 $0x0  }
0x12: {  	s1 =	sld [smem:$0x3F95];
	s0 =	simm.s32 @p0 $0x1  }
0x13: {  	[smem:$0x3FB0] =	sst s0;
	s0 =	simm.s32 @!p1 $0x0  }
0x14: {  	s2 =	sld [smem:$0x3F94];
	s0 =	simm.s32 @p1 $0x1  }
0x15: {  	[smem:$0x3FB1] =	sst s0;
	s0 =	simm.s32 @!p2 $0x0  }
0x16: {  	s3 =	sld [smem:$0x3FDB];
	s0 =	simm.s32 @p2 $0x1  }
0x17: {  	s4 =	simm.s32 $0x1BF5;
	[smem:$0x3FB3] =	sst s0  }
0x18: {  	s0 =	sld [smem:$0x3F96];
	_ =	swait.ge [sflag:s4], $0x0  }
0x19: {  	s7 =	sld [smem:$0x3F97]  }
0x1a: {  	s8 =	sadd.s32 $0xFFFFE003, lr  }
0x1b: {  	s9 =	sadd.s32 $0xFFFFFEF7, lr;
	s5 =	simm.s32 $0xFFFFFFFF;
	p2 =	slt.u32 s8, $0xFFFFF086  }
0x1c: {  	p1 =	slt.u32 s9, $0xF7A;
	s5 =	simm.s32 @!p2 $0x0  }
0x1d: {  	s5 =	simm.s32 @p1 $0x1;
	p0 =	seq.s32 s7, s2  }
0x1e: {  	s7 =	smul.u32 @!p0 $0xF7A, s2;
	p2 =	seq.s32 @!p0 s5, $0x0  }
0x1f: {  	s9 =	smul.u32 $0xF7A, s1;
	s8 =	simm.s32 @!p0 $0x1BF5;
	p2 =	por !p2, p0  }
0x20: {  	[sflag:s8] =	ssyncset.s32 @!p0 $0xFFFFF086;
	s6 =	sadd.s32 @!p0 s3, s7;
	s7 =	simm.s32 @!p0 $0x108  }
0x21: {  	s3 =	sadd.s32 s3, s9;
	s6 =	sadd.s32 @!p0 $0x88, s6;
	s7 =	simm.s32 @p2 $0x1082  }
0x22: {  	[simem:s7], [sflag:s8] =	dma.local @!p0 [hbm:s6], $0xF7A  }
0x23: {  	s9 =	sor.u32 $0xD0000000, s2;
	s6 =	simm.s32 $0x108;
	_ =	swait.ge @!p0 [sflag:s8], $0x0  }
0x24: {  	s3 =	sadd.s32 $0x88, s3;
	s6 =	simm.s32 @!p1 $0x1082;
	[sflag:s4] =	ssyncset.s32 $0xFFFFF086  }
0x25: {  	[simem:s6], [sflag:s4] =	dma.local [hbm:s3], $0xF7A  }
0x26: {  	[smem:$0x3F97] =	sst s1;
	(tag) =	ssettag s2;
	_ =	strace s9  }
0x27: {  	s1 =	sld [smem:$0x3FA7]  }
0x28: {  	s2 =	sld [smem:$0x3FA8]  }
0x29: {  	s4 =	sld [smem:$0x3FAA]  }
0x2a: {  	p0 =	seq.s32 s5, $0x0;
	s5 =	sld [smem:$0x3FAB]  }
0x2b: {  	s6 =	sld [smem:$0x3FAC]  }
0x2c: {  	s7 =	sld [smem:$0x3FAD]  }
0x2d: {  	s3 =	simm.s32 $0x108;
	s8 =	sld [smem:$0x3FAE]  }
0x2e: {  	s3 =	simm.s32 @!p0 $0x1082;
	s9 =	sld [smem:$0x3FAF]  }
0x2f: {  	lr =	sadd.s32 s0, s3;
	s0 =	sld [smem:$0x3FA6]  }
0x30: {  	s3 =	sld [smem:$0x3FA9]  }
0x31: {  	[smem:$0x3FB2] =	sst s10  }
0x32: {  	s10 =	sld [smem:$0x3FB0];
	_ =	sdelay $0x3  }
0x33: {  	p0 =	seq.s32 s10, $0x1;
	s10 =	sld [smem:$0x3FB2];
	_ =	sdelay $0x3  }
0x34: {  	[smem:$0x3FB2] =	sst s10  }
0x35: {  	s10 =	sld [smem:$0x3FB1];
	_ =	sdelay $0x3  }
0x36: {  	p1 =	seq.s32 s10, $0x1;
	s10 =	sld [smem:$0x3FB2];
	_ =	sdelay $0x3  }
0x37: {  	[smem:$0x3FB2] =	sst s10  }
0x38: {  	s10 =	sld [smem:$0x3FB3]  }
0x39: {  	_ = 	snop;
	(pc) =	sbr.ind lr, $3  }
0x3a: {  	_ = 	snop  }
0x3b: {  	_ = 	snop  }
0x3c: {  	p2 =	seq.s32 s10, $0x1;
	s10 =	sld [smem:$0x3FB2]  }
0x3d: {  	_ =	shalt  }
0x3e: {  	_ =	shalt  }
0x3f: {  	_ =	shalt  }
0x40: {  	_ =	shalt  }
0x41: {  	_ =	shalt  }
0x42: {  	_ =	shalt  }
0x43: {  	_ =	shalt  }
0x44: {  	_ =	shalt  }
0x45: {  	_ =	shalt  }
0x46: {  	_ =	shalt  }
0x47: {  	_ =	shalt  }
0x48: {  	_ =	shalt  }
0x49: {  	_ =	shalt  }
0x4a: {  	_ =	shalt  }
0x4b: {  	_ =	shalt  }
0x4c: {  	_ =	shalt  }
0x4d: {  	_ =	shalt  }
0x4e: {  	_ =	shalt  }
0x4f: {  	_ =	shalt  }
0x50: {  	_ =	shalt  }
0x51: {  	_ =	shalt  }
0x52: {  	_ =	shalt  }
0x53: {  	_ =	shalt  }
0x54: {  	_ =	shalt  }
0x55: {  	_ =	shalt  }
0x56: {  	_ =	shalt  }
0x57: {  	_ =	shalt  }
0x58: {  	_ =	shalt  }
0x59: {  	_ =	shalt  }
0x5a: {  	_ =	shalt  }
0x5b: {  	_ =	shalt  }
0x5c: {  	_ =	shalt  }
0x5d: {  	_ =	shalt  }
0x5e: {  	_ =	shalt  }
0x5f: {  	_ =	shalt  }
0x60: {  	_ =	shalt  }
0x61: {  	_ =	shalt  }
0x62: {  	_ =	shalt  }
0x63: {  	_ =	shalt  }
0x64: {  	_ =	shalt  }
0x65: {  	_ =	shalt  }
0x66: {  	_ =	shalt  }
0x67: {  	_ =	shalt  }
0x68: {  	_ =	shalt  }
0x69: {  	_ =	shalt  }
0x6a: {  	_ =	shalt  }
0x6b: {  	_ =	shalt  }
0x6c: {  	_ =	shalt  }
0x6d: {  	_ =	shalt  }
0x6e: {  	_ =	shalt  }
0x6f: {  	_ =	shalt  }
0x70: {  	_ =	shalt  }
0x71: {  	_ =	shalt  }
0x72: {  	_ =	shalt  }
0x73: {  	_ =	shalt  }
0x74: {  	_ =	shalt  }
0x75: {  	_ =	shalt  }
0x76: {  	_ =	shalt  }
0x77: {  	_ =	shalt  }
0x78: {  	_ =	shalt  }
0x79: {  	_ =	shalt  }
0x7a: {  	_ =	shalt  }
0x7b: {  	_ =	shalt  }
0x7c: {  	_ =	shalt  }
0x7d: {  	_ =	shalt  }
0x7e: {  	_ =	shalt  }
0x7f: {  	_ =	shalt  }
0x80: {  	_ =	shalt  }
0x81: {  	_ =	shalt  }
0x82: {  	_ =	shalt  }
0x83: {  	_ =	shalt  }
0x84: {  	_ =	shalt  }
0x85: {  	_ =	shalt  }
0x86: {  	_ =	shalt  }
0x87: {  	_ =	shalt  }
.Lfunc_end0:
.L_simem_size_0:
called_computation_lowered:
.L_overlay_start_0:
0x88: {  	s2 =	sld [smem:$0x3FD9]  }
0x89: {  	s3 =	sld [smem:$0x3FFE];
	_ =	sdelay $0x1  }
0x8a: {  	s1 =	srdreg.scid  }
0x8b: {  	s0 =	sand.u32 $0x1, s1  }
0x8c: {  	s17 =	sshll.u32 s0, $0xA;
	s2 =	sadd.s32 s3, s2  }
0x8d: {  	s2 =	sadd.s32 s2, s17  }
0x8e: {  	[smem:$0x3FBE] =	sst s2  }
0x8f: {  	_ = 	snop  }
0x90: {  	(tm) =	ssettm $0x1  }
0x91: {  	s18 =	sld [smem:$0x3FFB];
	_ =	sdelay $0x3  }
0x92: {  	_ =	strace s18  }
0x93: {  	s2 =	sld [smem:$0x3FFC];
	_ =	sdelay $0x3  }
0x94: {  	_ =	strace s2  }
0x95: {  	s2 =	sld [smem:$0x3FFD];
	_ =	sdelay $0x3  }
0x96: {  	_ =	strace s2  }
0x97: {  	_ =	strace $0x8FFFFFFF  }
0x98: {  	s19 =	sld [smem:$0x3FDB];
	_ =	sdelay $0x1  }
0x99: {  	s20 =	simm.s32 $_scs_section_size  }
0x9a: {  	s4 =	simm.s32 $_size__tile_overlayer_lowered;
	s5 =	simm.s32 $_tile_overlayer_lowered  }
0x9b: {  	s6 =	simm.s32 $0x1BFF;
	s21 =	sshll.u32 s5, $0x1;
	s3 =	sadd.s32 s20, s19  }
0x9c: {  	s22 =	simm.s32 $0x0;
	s4 =	sshll.u32 s4, $0x1;
	s5 =	sadd.s32 s21, s3  }
0x9d: {  	[timem:s22], [sflag:s6] =	dma.local [hbm:s5], s4  }
0x9e: {  	_ =	swait.ge [sflag:s6], s4  }
0x9f: {  	s4 =	ssub.s32 $0x0, s4;
	[sflag:s6] =	ssyncset.done $0x0  }
0xa0: {  	[sflag:s6] =	ssyncadd.s32 s4;
	_ =	sdelay $0x1  }
0xa1: {  	s23 =	simm.s32 $0x1B8B  }
0xa2: {  	_ =	swait.ge [sflag:s23], $0x1  }
0xa3: {  	[sflag:s23] =	ssyncset.done $0x0  }
0xa4: {  	[sflag:s23] =	ssyncadd.s32 $0xFFFFFFFF  }
0xa5: {  	s4 =	sld [smem:$0x0]  }
0xa6: {  	s5 =	sand.u32 $0xFFFFFFFE, s1  }
0xa7: {  	p0 =	sne.s32 s1, s5  }
0xa8: {  	s5 =	sshll.u32 @p0 s5, $0xE  }
0xa9: {  	s5 =	sadd.s32 @p0 $0x11B8D, s5;
	s6 =	sshll.u32 @p0 s4, $0x11  }
0xaa: {  	s5 =	sor.u32 @p0 s6, s5  }
0xab: {  	[sflag:s5] =	ssyncadd.remote.s32 @p0 $0x1;
	_ =	sdelay $0x1  }
0xac: {  	s5 =	simm.s32 @p0 $0x1B8D  }
0xad: {  	_ =	swait.eq @p0 [sflag:s5], $0x1  }
0xae: {  	[sflag:s5] =	ssyncadd.s32 @p0 $0xFFFFFFFF  }
0xaf: {  	s6 =	sshll.u32 @!p0 s1, $0xE  }
0xb0: {  	s6 =	sor.u32 @!p0 $0x4000, s6;
	s5 =	simm.s32 @!p0 $0x1B8D  }
0xb1: {  	s4 =	sshll.u32 @!p0 s4, $0x11;
	s6 =	sadd.s32 @!p0 $0x11B8D, s6;
	_ =	swait.eq @!p0 [sflag:s5], $0x1  }
0xb2: {  	s4 =	sor.u32 @!p0 s4, s6;
	[sflag:s5] =	ssyncadd.s32 @!p0 $0xFFFFFFFF  }
0xb3: {  	s25 =	simm.s32 $0x1B8E;
	s24 =	sld [smem:$0x3FFE];
	[sflag:s4] =	ssyncadd.remote.s32 @!p0 $0x1  }
0xb4: {  	s26 =	simm.s32 $execute0_lowered;
	[smem:$0x3FD2] =	sst s25  }
0xb5: {  	s5 =	sshll.u32 s26, $0x1;
	_ =	strace $0x80000049;
	[dreg:$0x1] =	wrdreg $0xFFFFFFFF  }
0xb6: {  	s28 =	simm.s32 $_size_execute0_lowered;
	s3 =	sadd.s32 s3, s5;
	[dreg:$0x0] =	wrdreg $0x0  }
0xb7: {  	s5 =	sshll.u32 s28, $0x1;
	[dreg:$0x2] =	wrdreg s3  }
0xb8: {  	[dreg:$0x3] =	wrdreg s5  }
0xb9: {  	[dreg:$0x4] =	wrdreg $0xC0  }
0xba: {  	_ =	task [dreg:s22], $0x5FFFF  }
0xbb: {  	[dreg:$0x1] =	wrdreg $0xFFFFFFFF  }
0xbc: {  	[dreg:$0x0] =	wrdreg $0x60  }
0xbd: {  	[dreg:$0x2] =	wrdreg s24  }
0xbe: {  	[dreg:$0x3] =	wrdreg $0x28800  }
0xbf: {  	[dreg:$0x4] =	wrdreg $0x9  }
0xc0: {  	_ =	task.clear_ibuf [dreg:s22], $0x5FFFF;
	_ =	strace $0x90000049  }
0xc1: {  	s29 =	simm.s32 $0x9;
	_ =	strace $0x8000004B  }
0xc2: {  	_ =	swait.ge [sflag:s29], $0x1  }
0xc3: {  	[sflag:s29] =	ssyncadd.s32 $0xFFFFFFFF  }
0xc4: {  	_ =	strace $0x9000004B  }
0xc5: {  	_ =	sfence  }
0xc6: {  	s30 =	sld [smem:$0x0];
	_ =	sdelay $0x2  }
0xc7: {  	s31 =	sshll.u32 s1, $0xD;
	s1 =	sshrl.u32 s1, $0x2  }
0xc8: {  	s4 =	sand.u32 $0x4000, s31;
	s1 =	sadd.s32 s1, s30  }
0xc9: {  	s0 =	sor.u32 s4, s0;
	s1 =	sshll.u32 s1, $0x11  }
0xca: {  	s0 =	sor.u32 s1, s0  }
0xcb: {  	s0 =	sadd.s32 $0x8F2B, s0  }
0xcc: {  	[sflag:s0] =	ssyncadd.remote.s32 $0x1  }
0xcd: {  	_ =	sfence.sel $0xFFFF  }
0xce: {  	[dreg:$0x0] =	wrdreg $0xFFFFFFFF;
	(pc) =	sbr.abs _section_cstart, $3  }
0xcf: {  	[dreg:$0x1] =	wrdreg $0xFFFFFFFF  }
0xd0: {  	_ =	task.clear_ibuf [dreg:s22], $0x2FFFF;
	_ =	strace $0x9FFFFFFF  }
0xd1: {  	(tm) =	ssettm $0x7FFFFFFF  }
tec
execute0_lowered:
.L_overlay_start_1:
0x0: {  	(tag) =	ssettag $0x1  }
0x1: {  	s1 =	srdreg.scid  }
0x2: {  	s0 =	stileid.u32;
	s5 =	rddreg [dreg:$0x0]  }
0x3: {  	s2 =	rddreg [dreg:$0x1];
	s3 =	simm.s32 $0x0;
	s6 =	smul.u32 $0x4E20, s0  }
0x4: {  	s12 =	simm.s32 $0x80;
	s13 =	simm.s32 $0x50;
	s8 =	smul.u32 $0x13C00, s0  }
0x5: {  	s4 =	sand.u32 $0x1, s1;
	s1 =	rddreg [dreg:$0x2];
	s28 =	smul.u32 $0x4F000, s0  }
0x6: {  	s14 =	simm.s32 $0x0;
	[smem:$0x7FF] =	sst s3;
	s7 =	smul.u32 $0x2710, s4  }
0x7: {  	s31 =	sshll.u32 s0, $0x6;
	s9 =	smul.u32 $0x13C000, s4;
	_ =	strace $0x8000004A  }
0x8: {  	s26 =	ssub.s32 $0x2, s4;
	s4 =	sadd.s32 $0x8CA00, s5;
	s23 =	sshrl.u32 s8, $0x3  }
0x9: {  	s11 =	sshrl.u32 s26, $0x1;
	s29 =	sshrl.u32 s28, $0x2;
	s6 =	sadd.s32 s7, s6  }
0xa: {  	s24 =	sadd.s32 s23, s5;
	s25 =	sadd.s32 s8, s9;
	s8 =	ssub.s32 s26, s11  }
0xb: {  	s30 =	sadd.s32 s29, s2;
	s11 =	simm.s32 $0x1;
	s6 =	sshrl.u32 s6, $0x3  }
0xc: {  	s7 =	sshrl.u32 s25, $0x3;
	s8 =	smax.u32 s8, $0x1;
	s10 =	sadd.s32 s6, s5  }
0xd: {  	s7 =	sadd.s32 s7, s5;
	s5 =	sadd.s32 $0x16200, s24;
	s6 =	sor.u32 $0x1C01, s31  }
0xe: {  	s7 =	sadd.s32 $0x8D000, s7;
	s9 =	sadd.s32 $0x2600, s10;
	s10 =	sshrl.u32 s30, $0x3  }
.LBB2_1:
0xf: {  	[spmem:s10], [sflag:s6] =	dma.local [hbm:s5], $0x2780  }
0x10: {  	_ =	swait.ge [sflag:s11], $0x2780  }
0x11: {  	[sflag:s11] =	ssyncset.done $0x0  }
0x12: {  	[sflag:s11] =	ssyncadd.s32 $0xFFFFD880  }
0x13: {  	[tilespmem:s12], [sflag:$0x1] =	stream.linear.gather [hbm4b:s4+s3], $0x2800, $0x38;
	[tilespmem:$0x16480] =	vst v63  }
0x14: {  	_ =	swait.ge [sflag:s11], $0x2800  }
0x15: {  	[sflag:s11] =	ssyncset.done $0x0  }
0x16: {  	[sflag:s11] =	ssyncadd.s32 $0xFFFFD800  }
0x17: {  	s15 =	sadd.s32 $0x0, s9;
	[bflag:$0x0] =	sbarrier.arrive $0xFFFF  }
0x18: {  	[tilespmem:s3], [sflag:$0x1] =	stream.linear.gather [hbm4b:s15+s3], $0x50, $0x38;
	[tilespmem:$0x16480] =	vst v63  }
0x19: {  	_ =	swait.ge [sflag:s11], $0x50  }
0x1a: {  	[sflag:s11] =	ssyncset.done $0x0  }
0x1b: {  	[sflag:s11] =	ssyncadd.s32 $0xFFFFFFB0  }
0x1c: {  	[spmem:s2] =	stream.indirect.scatter.add.f32 [tilespmem:s12], [sflag:$0x1], $0x80, s3, s13, $0xb8;
	[tilespmem:$0x16480] =	vst v63  }
0x1d: {  	_ =	swait.ge [sflag:s11], $0x2800  }
0x1e: {  	s16 =	simm.s32 $0x14;
	s15 =	simm.s32 $0xA;
	[sflag:s11] =	ssyncset.done $0x0  }
.LBB2_2:
0x1f: {  	s17 =	sadd.s32 s15, s9  }
0x20: {  	[sflag:s11] =	ssyncadd.s32 $0xFFFFD800;
	s15 =	smov.u32 s16;
	s18 =	sadd.s32 $0xA, s16  }
0x21: {  	[tilespmem:s3], [sflag:$0x1] =	stream.linear.gather [hbm4b:s17+s3], $0x50, $0x38;
	[tilespmem:$0x16480] =	vst v63  }
0x22: {  	p0 =	sne.s32 s16, $0x4D8;
	_ =	swait.ge [sflag:s11], $0x50  }
.Ltmp0:
0x23: {  	[sflag:s11] =	ssyncset.done $0x0;
	(pc) =	sbr.rel @p0 .LBB2_2-.Ltmp0, $4  }
0x24: {  	[sflag:s11] =	ssyncadd.s32 $0xFFFFFFB0  }
0x25: {  	[spmem:s2] =	stream.indirect.scatter.add.f32 [tilespmem:s12], [sflag:$0x1], $0x80, s3, s13, $0xb8;
	[tilespmem:$0x16480] =	vst v63  }
0x26: {  	_ =	swait.ge [sflag:s11], $0x2800  }
0x27: {  	s16 =	smov.u32 s18;
	[sflag:s11] =	ssyncset.done $0x0  }
0x28: {  	s15 =	sadd.s32 s15, s9;
	[sflag:s11] =	ssyncadd.s32 $0xFFFFD800  }
0x29: {  	[tilespmem:s3], [sflag:$0x1] =	stream.linear.gather [hbm4b:s15+s3], $0x50, $0x38;
	[tilespmem:$0x16480] =	vst v63  }
0x2a: {  	_ =	swait.ge [sflag:s11], $0x50  }
0x2b: {  	[sflag:s11] =	ssyncset.done $0x0  }
0x2c: {  	[sflag:s11] =	ssyncadd.s32 $0xFFFFFFB0  }
0x2d: {  	[spmem:s2] =	stream.indirect.scatter.add.f32 [tilespmem:s12], [sflag:$0x1], $0x80, s3, s13, $0xb8;
	[tilespmem:$0x16480] =	vst v63  }
0x2e: {  	_ =	swait.ge [sflag:s11], $0x2800  }
0x2f: {  	s14 =	sadd.s32 $0x1, s14;
	[sflag:s11] =	ssyncset.done $0x0  }
0x30: {  	p0 =	sne.s32 s14, s8;
	[sflag:s11] =	ssyncadd.s32 $0xFFFFD800  }
.Ltmp1:
0x31: {  	[bflag:$0x0] =	sbarrier.arrive $0xFFFF;
	(pc) =	sbr.rel @p0 .LBB2_1-.Ltmp1, $4  }
0x32: {  	[hbm:s7], [sflag:s6] =	dma.local [spmem:s10], $0x2780  }
0x33: {  	_ =	swait.ge [sflag:s11], $0x2780  }
0x34: {  	[sflag:s11] =	ssyncset.done $0x0  }
0x35: {  	[sflag:s11] =	ssyncadd.s32 $0xFFFFD880  }
0x36: {  	_ =	sfence.sel $0x180000  }
0x37: {  	[bflag:$0x0] =	sbarrier.arrive $0xFFFF  }
0x38: {  	p0 =	sne.s32 s0, $0x0;
	_ =	strace $0x9000004A  }
0x39: {  	s0 =	sadd.s32 @!p0 $0x100000, s1;
	[bflag:$0x2] =	sbarrier.arrive $0xFFFF  }
0x3a: {  	[sflag:s0] =	ssyncadd.tile.s32 @!p0 $0x1;
	_ =	shalt  }
.Lfunc_end2:
_tile_overlayer_lowered:
.L_overlay_start_2:
0x3b: {  	(tag) =	ssettag $0x2  }
0x3c: {  	s0 =	rddreg [dreg:$0x0];
	s2 =	stileid.u32  }
0x3d: {  	s1 =	rddreg [dreg:$0x1];
	p0 =	sne.s32 s2, $0x0  }
0x3e: {  	s3 =	rddreg [dreg:$0x2];
	[bflag:$0x3] =	sbarrier.arrive $0xFFFF;
	s2 =	simm.s32 @!p0 $0x1C01  }
0x3f: {  	[timem:s3], [sflag:s2] =	dma.local @!p0 [hbm:s0], s1  }
0x40: {  	s0 =	simm.s32 @!p0 $0x1  }
0x41: {  	_ =	swait.ge @!p0 [sflag:s0], s1  }
0x42: {  	s1 =	ssub.s32 @!p0 $0x0, s1;
	[sflag:s0] =	ssyncset.done @!p0 $0x0  }
0x43: {  	[sflag:s0] =	ssyncadd.s32 @!p0 s1  }
0x44: {  	[bflag:$0x3] =	sbarrier.arrive $0xFFFF  }
0x45: {  	_ =	shalt  }

// kernel: kernel.14.cloned.1.call-start
scs
__scs_entry_jumppad:
0x0: {  	(pc) =	sbr.rel $0x88, $3  }
0x1: {  	(tag) =	ssettag $0x0;
	lr =	simm.s32 $0x1  }
0x2: {  	[smem:$0x3F97] =	sst lr;
	_ =	strace $0xD0000000  }
0x3: {  	_ = 	snop  }
0x4: {  	_ = 	snop  }
0x5: {  	_ = 	snop  }
0x6: {  	_ = 	snop  }
0x7: {  	_ = 	snop  }
__scs_overlays_trampoline_lowered:
0x8: {  	[smem:$0x3FA6] =	sst s0  }
0x9: {  	[smem:$0x3FA7] =	sst s1  }
0xa: {  	[smem:$0x3FA8] =	sst s2  }
0xb: {  	[smem:$0x3FA9] =	sst s3  }
0xc: {  	[smem:$0x3FAA] =	sst s4  }
0xd: {  	[smem:$0x3FAB] =	sst s5  }
0xe: {  	[smem:$0x3FAC] =	sst s6  }
0xf: {  	[smem:$0x3FAD] =	sst s7  }
0x10: {  	[smem:$0x3FAE] =	sst s8  }
0x11: {  	[smem:$0x3FAF] =	sst s9;
	s0 =	simm.s32 @!p0 $0x0  }
0x12: {  	s1 =	sld [smem:$0x3F95];
	s0 =	simm.s32 @p0 $0x1  }
0x13: {  	[smem:$0x3FB0] =	sst s0;
	s0 =	simm.s32 @!p1 $0x0  }
0x14: {  	s2 =	sld [smem:$0x3F94];
	s0 =	simm.s32 @p1 $0x1  }
0x15: {  	[smem:$0x3FB1] =	sst s0;
	s0 =	simm.s32 @!p2 $0x0  }
0x16: {  	s3 =	sld [smem:$0x3FDB];
	s0 =	simm.s32 @p2 $0x1  }
0x17: {  	s4 =	simm.s32 $0x1BF5;
	[smem:$0x3FB3] =	sst s0  }
0x18: {  	s0 =	sld [smem:$0x3F96];
	_ =	swait.ge [sflag:s4], $0x0  }
0x19: {  	s7 =	sld [smem:$0x3F97]  }
0x1a: {  	s8 =	sadd.s32 $0xFFFFE003, lr  }
0x1b: {  	s9 =	sadd.s32 $0xFFFFFEF7, lr;
	s5 =	simm.s32 $0xFFFFFFFF;
	p2 =	slt.u32 s8, $0xFFFFF086  }
0x1c: {  	p1 =	slt.u32 s9, $0xF7A;
	s5 =	simm.s32 @!p2 $0x0  }
0x1d: {  	s5 =	simm.s32 @p1 $0x1;
	p0 =	seq.s32 s7, s2  }
0x1e: {  	s7 =	smul.u32 @!p0 $0xF7A, s2;
	p2 =	seq.s32 @!p0 s5, $0x0  }
0x1f: {  	s9 =	smul.u32 $0xF7A, s1;
	s8 =	simm.s32 @!p0 $0x1BF5;
	p2 =	por !p2, p0  }
0x20: {  	[sflag:s8] =	ssyncset.s32 @!p0 $0xFFFFF086;
	s6 =	sadd.s32 @!p0 s3, s7;
	s7 =	simm.s32 @!p0 $0x108  }
0x21: {  	s3 =	sadd.s32 s3, s9;
	s6 =	sadd.s32 @!p0 $0x88, s6;
	s7 =	simm.s32 @p2 $0x1082  }
0x22: {  	[simem:s7], [sflag:s8] =	dma.local @!p0 [hbm:s6], $0xF7A  }
0x23: {  	s9 =	sor.u32 $0xD0000000, s2;
	s6 =	simm.s32 $0x108;
	_ =	swait.ge @!p0 [sflag:s8], $0x0  }
0x24: {  	s3 =	sadd.s32 $0x88, s3;
	s6 =	simm.s32 @!p1 $0x1082;
	[sflag:s4] =	ssyncset.s32 $0xFFFFF086  }
0x25: {  	[simem:s6], [sflag:s4] =	dma.local [hbm:s3], $0xF7A  }
0x26: {  	[smem:$0x3F97] =	sst s1;
	(tag) =	ssettag s2;
	_ =	strace s9  }
0x27: {  	s1 =	sld [smem:$0x3FA7]  }
0x28: {  	s2 =	sld [smem:$0x3FA8]  }
0x29: {  	s4 =	sld [smem:$0x3FAA]  }
0x2a: {  	p0 =	seq.s32 s5, $0x0;
	s5 =	sld [smem:$0x3FAB]  }
0x2b: {  	s6 =	sld [smem:$0x3FAC]  }
0x2c: {  	s7 =	sld [smem:$0x3FAD]  }
0x2d: {  	s3 =	simm.s32 $0x108;
	s8 =	sld [smem:$0x3FAE]  }
0x2e: {  	s3 =	simm.s32 @!p0 $0x1082;
	s9 =	sld [smem:$0x3FAF]  }
0x2f: {  	lr =	sadd.s32 s0, s3;
	s0 =	sld [smem:$0x3FA6]  }
0x30: {  	s3 =	sld [smem:$0x3FA9]  }
0x31: {  	[smem:$0x3FB2] =	sst s10  }
0x32: {  	s10 =	sld [smem:$0x3FB0];
	_ =	sdelay $0x3  }
0x33: {  	p0 =	seq.s32 s10, $0x1;
	s10 =	sld [smem:$0x3FB2];
	_ =	sdelay $0x3  }
0x34: {  	[smem:$0x3FB2] =	sst s10  }
0x35: {  	s10 =	sld [smem:$0x3FB1];
	_ =	sdelay $0x3  }
0x36: {  	p1 =	seq.s32 s10, $0x1;
	s10 =	sld [smem:$0x3FB2];
	_ =	sdelay $0x3  }
0x37: {  	[smem:$0x3FB2] =	sst s10  }
0x38: {  	s10 =	sld [smem:$0x3FB3]  }
0x39: {  	_ = 	snop;
	(pc) =	sbr.ind lr, $3  }
0x3a: {  	_ = 	snop  }
0x3b: {  	_ = 	snop  }
0x3c: {  	p2 =	seq.s32 s10, $0x1;
	s10 =	sld [smem:$0x3FB2]  }
0x3d: {  	_ =	shalt  }
0x3e: {  	_ =	shalt  }
0x3f: {  	_ =	shalt  }
0x40: {  	_ =	shalt  }
0x41: {  	_ =	shalt  }
0x42: {  	_ =	shalt  }
0x43: {  	_ =	shalt  }
0x44: {  	_ =	shalt  }
0x45: {  	_ =	shalt  }
0x46: {  	_ =	shalt  }
0x47: {  	_ =	shalt  }
0x48: {  	_ =	shalt  }
0x49: {  	_ =	shalt  }
0x4a: {  	_ =	shalt  }
0x4b: {  	_ =	shalt  }
0x4c: {  	_ =	shalt  }
0x4d: {  	_ =	shalt  }
0x4e: {  	_ =	shalt  }
0x4f: {  	_ =	shalt  }
0x50: {  	_ =	shalt  }
0x51: {  	_ =	shalt  }
0x52: {  	_ =	shalt  }
0x53: {  	_ =	shalt  }
0x54: {  	_ =	shalt  }
0x55: {  	_ =	shalt  }
0x56: {  	_ =	shalt  }
0x57: {  	_ =	shalt  }
0x58: {  	_ =	shalt  }
0x59: {  	_ =	shalt  }
0x5a: {  	_ =	shalt  }
0x5b: {  	_ =	shalt  }
0x5c: {  	_ =	shalt  }
0x5d: {  	_ =	shalt  }
0x5e: {  	_ =	shalt  }
0x5f: {  	_ =	shalt  }
0x60: {  	_ =	shalt  }
0x61: {  	_ =	shalt  }
0x62: {  	_ =	shalt  }
0x63: {  	_ =	shalt  }
0x64: {  	_ =	shalt  }
0x65: {  	_ =	shalt  }
0x66: {  	_ =	shalt  }
0x67: {  	_ =	shalt  }
0x68: {  	_ =	shalt  }
0x69: {  	_ =	shalt  }
0x6a: {  	_ =	shalt  }
0x6b: {  	_ =	shalt  }
0x6c: {  	_ =	shalt  }
0x6d: {  	_ =	shalt  }
0x6e: {  	_ =	shalt  }
0x6f: {  	_ =	shalt  }
0x70: {  	_ =	shalt  }
0x71: {  	_ =	shalt  }
0x72: {  	_ =	shalt  }
0x73: {  	_ =	shalt  }
0x74: {  	_ =	shalt  }
0x75: {  	_ =	shalt  }
0x76: {  	_ =	shalt  }
0x77: {  	_ =	shalt  }
0x78: {  	_ =	shalt  }
0x79: {  	_ =	shalt  }
0x7a: {  	_ =	shalt  }
0x7b: {  	_ =	shalt  }
0x7c: {  	_ =	shalt  }
0x7d: {  	_ =	shalt  }
0x7e: {  	_ =	shalt  }
0x7f: {  	_ =	shalt  }
0x80: {  	_ =	shalt  }
0x81: {  	_ =	shalt  }
0x82: {  	_ =	shalt  }
0x83: {  	_ =	shalt  }
0x84: {  	_ =	shalt  }
0x85: {  	_ =	shalt  }
0x86: {  	_ =	shalt  }
0x87: {  	_ =	shalt  }
.Lfunc_end0:
.L_simem_size_0:
called_computation.1_lowered:
.L_overlay_start_0:
0x88: {  	s2 =	sld [smem:$0x3FD9]  }
0x89: {  	s3 =	sld [smem:$0x3FFE];
	_ =	sdelay $0x1  }
0x8a: {  	s1 =	srdreg.scid  }
0x8b: {  	s0 =	sand.u32 $0x1, s1  }
0x8c: {  	s14 =	sshll.u32 s0, $0xA;
	s2 =	sadd.s32 s3, s2  }
0x8d: {  	s2 =	sadd.s32 s2, s14  }
0x8e: {  	[smem:$0x3FBE] =	sst s2  }
0x8f: {  	_ = 	snop  }
0x90: {  	s2 =	sld [smem:$0x3FD0];
	_ =	sdelay $0x2  }
0x91: {  	s15 =	simm.s32 $0xB;
	s4 =	simm.s32 $0x10  }
0x92: {  	[smem:s4], [sflag:s15] =	dma.local [hbm:s2], $0x1  }
0x93: {  	_ =	swait.eq [sflag:s15], $0x1  }
0x94: {  	[sflag:s15] =	ssyncset.done $0x0  }
0x95: {  	[sflag:s15] =	ssyncadd.s32 $0xFFFFFFFF  }
0x96: {  	s16 =	sld [smem:$0x10];
	(tm) =	ssettm $0x1  }
0x97: {  	s17 =	sld [smem:$0x3FFB];
	_ =	sdelay $0x3  }
0x98: {  	_ =	strace s17  }
0x99: {  	s3 =	sld [smem:$0x3FFC];
	_ =	sdelay $0x3  }
0x9a: {  	_ =	strace s3  }
0x9b: {  	s3 =	sld [smem:$0x3FFD];
	_ =	sdelay $0x3  }
0x9c: {  	_ =	strace s3  }
0x9d: {  	_ =	strace $0x8FFFFFFF  }
0x9e: {  	s18 =	sld [smem:$0x3FDB];
	_ =	sdelay $0x1  }
0x9f: {  	s19 =	simm.s32 $_scs_section_size  }
0xa0: {  	s5 =	simm.s32 $_size__tile_overlayer_lowered;
	s6 =	simm.s32 $_tile_overlayer_lowered  }
0xa1: {  	s22 =	simm.s32 $0x1BFF;
	s21 =	sshll.u32 s6, $0x1;
	s3 =	sadd.s32 s19, s18  }
0xa2: {  	s7 =	simm.s32 $0x0;
	s20 =	sshll.u32 s5, $0x1;
	s5 =	sadd.s32 s21, s3  }
0xa3: {  	[timem:s7], [sflag:s22] =	dma.local [hbm:s5], s20  }
0xa4: {  	_ =	swait.ge [sflag:s22], s20  }
0xa5: {  	s4 =	ssub.s32 $0x0, s20;
	[sflag:s22] =	ssyncset.done $0x0  }
0xa6: {  	[sflag:s22] =	ssyncadd.s32 s4;
	_ =	sdelay $0x1  }
0xa7: {  	s23 =	simm.s32 $0x1B8B  }
0xa8: {  	_ =	swait.ge [sflag:s23], $0x1  }
0xa9: {  	[sflag:s23] =	ssyncset.done $0x0  }
0xaa: {  	s25 =	simm.s32 $0x1B8E;
	s24 =	sld [smem:$0x3FFE];
	[sflag:s23] =	ssyncadd.s32 $0xFFFFFFFF  }
0xab: {  	s26 =	simm.s32 $execute0_lowered;
	[smem:$0x3FD2] =	sst s25  }
0xac: {  	s5 =	sshll.u32 s26, $0x1;
	_ =	strace $0x80000046;
	[dreg:$0x1] =	wrdreg $0xFFFFFFFF  }
0xad: {  	s28 =	simm.s32 $_size_execute0_lowered;
	s3 =	sadd.s32 s3, s5;
	[dreg:$0x0] =	wrdreg $0x0  }
0xae: {  	s5 =	sshll.u32 s28, $0x1;
	[dreg:$0x2] =	wrdreg s3  }
0xaf: {  	[dreg:$0x3] =	wrdreg s5  }
0xb0: {  	[dreg:$0x4] =	wrdreg $0xC0  }
0xb1: {  	_ =	task [dreg:s7], $0x5FFFF  }
0xb2: {  	[dreg:$0x1] =	wrdreg $0xFFFFFFFF  }
0xb3: {  	[dreg:$0x0] =	wrdreg $0x60  }
0xb4: {  	[dreg:$0x2] =	wrdreg s16  }
0xb5: {  	[dreg:$0x3] =	wrdreg s24  }
0xb6: {  	[dreg:$0x4] =	wrdreg $0x29000  }
0xb7: {  	[dreg:$0x5] =	wrdreg $0xA  }
0xb8: {  	_ =	task.clear_ibuf [dreg:s7], $0x6FFFF;
	_ =	strace $0x90000046  }
0xb9: {  	s29 =	simm.s32 $0xA;
	_ =	strace $0x80000048  }
0xba: {  	_ =	swait.ge [sflag:s29], $0x1  }
0xbb: {  	[sflag:s29] =	ssyncadd.s32 $0xFFFFFFFF  }
0xbc: {  	_ =	strace $0x90000048  }
0xbd: {  	_ =	sfence  }
0xbe: {  	s30 =	sld [smem:$0x0];
	_ =	sdelay $0x2  }
0xbf: {  	s31 =	sshll.u32 s1, $0xD;
	s1 =	sshrl.u32 s1, $0x2  }
0xc0: {  	s3 =	sand.u32 $0x4000, s31;
	s1 =	sadd.s32 s1, s30  }
0xc1: {  	s0 =	sor.u32 s3, s0;
	s1 =	sshll.u32 s1, $0x11  }
0xc2: {  	s0 =	sor.u32 s1, s0  }
0xc3: {  	s0 =	sadd.s32 $0x8F2B, s0  }
0xc4: {  	[sflag:s0] =	ssyncadd.remote.s32 $0x1  }
0xc5: {  	_ =	sfence.sel $0xFFFF  }
0xc6: {  	[dreg:$0x0] =	wrdreg $0xFFFFFFFF;
	(pc) =	sbr.abs _section_cstart, $3  }
0xc7: {  	[dreg:$0x1] =	wrdreg $0xFFFFFFFF  }
0xc8: {  	_ =	task.clear_ibuf [dreg:s7], $0x2FFFF;
	_ =	strace $0x9FFFFFFF  }
0xc9: {  	(tm) =	ssettm $0x7FFFFFFF  }
tec
execute0_lowered:
.L_overlay_start_1:
0x0: {  	(tag) =	ssettag $0x1  }
0x1: {  	s1 =	rddreg [dreg:$0x0]  }
0x2: {  	s2 =	srdreg.scid;
	s5 =	rddreg [dreg:$0x1]  }
0x3: {  	s0 =	stileid.u32;
	s3 =	rddreg [dreg:$0x2];
	s4 =	simm.s32 $0x0  }
0x4: {  	s13 =	simm.s32 $0x80;
	s14 =	simm.s32 $0x50;
	s7 =	smul.u32 $0x4E20, s0  }
0x5: {  	s15 =	simm.s32 $0x100;
	s16 =	simm.s32 $0x1;
	s26 =	smul.u32 $0x13C00, s0  }
0x6: {  	s6 =	sand.u32 $0x1, s2;
	s2 =	rddreg [dreg:$0x3];
	s29 =	smul.u32 $0x4F000, s0  }
0x7: {  	s17 =	simm.s32 $0x0;
	[smem:$0x7FF] =	sst s4;
	s8 =	smul.u32 $0x2710, s6  }
0x8: {  	s31 =	sshll.u32 s0, $0x6;
	s9 =	smul.u32 $0x13C000, s6;
	s6 =	ssub.s32 $0x2, s6  }
0x9: {  	_ =	strace $0x80000047;
	s28 =	sshrl.u32 s26, $0x3;
	s11 =	sshrl.u32 s6, $0x1  }
0xa: {  	s30 =	sshrl.u32 s29, $0x2;
	s7 =	sadd.s32 s8, s7;
	s8 =	sadd.s32 s26, s9  }
0xb: {  	s11 =	ssub.s32 s6, s11;
	s12 =	sadd.s32 s30, s3;
	s7 =	sshrl.u32 s7, $0x3  }
0xc: {  	s8 =	sshrl.u32 s8, $0x3;
	s10 =	sadd.s32 s7, s5;
	s7 =	sadd.s32 s28, s5  }
0xd: {  	s6 =	sor.u32 $0x1C02, s31;
	s8 =	sadd.s32 s8, s5;
	s5 =	sadd.s32 $0x16200, s7  }
0xe: {  	s7 =	sadd.s32 $0x3DA00, s8;
	s8 =	smax.u32 s11, $0x1;
	s9 =	sadd.s32 $0x2600, s10  }
0xf: {  	s10 =	sadd.s32 $0xC400, s10;
	s11 =	sshrl.u32 s12, $0x3;
	s12 =	simm.s32 $0x2  }
.LBB2_1:
0x10: {  	[spmem:s11], [sflag:s6] =	dma.local [hbm:s5], $0x2780  }
0x11: {  	_ =	swait.ge [sflag:s12], $0x2780  }
0x12: {  	[sflag:s12] =	ssyncset.done $0x0  }
0x13: {  	[sflag:s12] =	ssyncadd.s32 $0xFFFFD880  }
0x14: {  	s18 =	sadd.s32 $0x0, s10;
	[bflag:$0x0] =	sbarrier.arrive $0xFFFF  }
0x15: {  	[tilespmem:s4], [sflag:$0x2] =	stream.linear.gather [hbm4b:s18+s4], $0x50, $0x38;
	[tilespmem:$0x16500] =	vst v63  }
0x16: {  	_ =	swait.ge [sflag:s12], $0x50  }
0x17: {  	[sflag:s12] =	ssyncset.done $0x0  }
0x18: {  	s31 =	sadd.s32 $0x0, s9;
	[sflag:s12] =	ssyncadd.s32 $0xFFFFFFB0  }
0x19: {  	[tilespmem:s13], [sflag:$0x2] =	stream.linear.gather [hbm4b:s31+s4], $0x50, $0x38;
	[tilespmem:$0x16500] =	vst v63  }
0x1a: {  	_ =	swait.ge [sflag:s12], $0x50  }
0x1b: {  	[sflag:s12] =	ssyncset.done $0x0  }
0x1c: {  	[sflag:s12] =	ssyncadd.s32 $0xFFFFFFB0  }
0x1d: {  	[tilespmem:s15], [sflag:$0x1] =	stream.indirect.gather [hbm4b:s1+s14], $0x80, s4, s14, $0xb8;
	[tilespmem:$0x16500] =	vst v63  }
0x1e: {  	_ =	swait.ge [sflag:s16], $0x2800  }
0x1f: {  	[sflag:s16] =	ssyncset.done $0x0  }
0x20: {  	[sflag:s16] =	ssyncadd.s32 $0xFFFFD800  }
0x21: {  	[spmem:s3] =	stream.indirect.scatter.add.f32 [tilespmem:s15], [sflag:$0x2], $0x80, s13, s14, $0xb8;
	[tilespmem:$0x16500] =	vst v63  }
0x22: {  	_ =	swait.ge [sflag:s12], $0x2800  }
0x23: {  	s19 =	simm.s32 $0x14;
	s18 =	simm.s32 $0xA;
	[sflag:s12] =	ssyncset.done $0x0  }
.LBB2_2:
0x24: {  	s20 =	sadd.s32 s18, s10  }
0x25: {  	[sflag:s12] =	ssyncadd.s32 $0xFFFFD800;
	s21 =	smov.u32 s19;
	s22 =	sadd.s32 $0xA, s19  }
0x26: {  	[tilespmem:s4], [sflag:$0x2] =	stream.linear.gather [hbm4b:s20+s4], $0x50, $0x38;
	[tilespmem:$0x16500] =	vst v63  }
0x27: {  	p0 =	sne.s32 s19, $0x4D8;
	_ =	swait.ge [sflag:s12], $0x50  }
0x28: {  	[sflag:s12] =	ssyncset.done $0x0  }
0x29: {  	s19 =	sadd.s32 s18, s9;
	s18 =	smov.u32 s21;
	[sflag:s12] =	ssyncadd.s32 $0xFFFFFFB0  }
0x2a: {  	[tilespmem:s13], [sflag:$0x2] =	stream.linear.gather [hbm4b:s19+s4], $0x50, $0x38;
	[tilespmem:$0x16500] =	vst v63  }
0x2b: {  	_ =	swait.ge [sflag:s12], $0x50  }
0x2c: {  	[sflag:s12] =	ssyncset.done $0x0  }
0x2d: {  	[sflag:s12] =	ssyncadd.s32 $0xFFFFFFB0  }
0x2e: {  	[tilespmem:s15], [sflag:$0x1] =	stream.indirect.gather [hbm4b:s1+s14], $0x80, s4, s14, $0xb8;
	[tilespmem:$0x16500] =	vst v63  }
0x2f: {  	_ =	swait.ge [sflag:s16], $0x2800  }
.Ltmp0:
0x30: {  	[sflag:s16] =	ssyncset.done $0x0;
	(pc) =	sbr.rel @p0 .LBB2_2-.Ltmp0, $4  }
0x31: {  	[sflag:s16] =	ssyncadd.s32 $0xFFFFD800  }
0x32: {  	[spmem:s3] =	stream.indirect.scatter.add.f32 [tilespmem:s15], [sflag:$0x2], $0x80, s13, s14, $0xb8;
	[tilespmem:$0x16500] =	vst v63  }
0x33: {  	_ =	swait.ge [sflag:s12], $0x2800  }
0x34: {  	s19 =	smov.u32 s22;
	[sflag:s12] =	ssyncset.done $0x0  }
0x35: {  	s19 =	sadd.s32 s18, s10;
	[sflag:s12] =	ssyncadd.s32 $0xFFFFD800  }
0x36: {  	[tilespmem:s4], [sflag:$0x2] =	stream.linear.gather [hbm4b:s19+s4], $0x50, $0x38;
	[tilespmem:$0x16500] =	vst v63  }
0x37: {  	_ =	swait.ge [sflag:s12], $0x50  }
0x38: {  	[sflag:s12] =	ssyncset.done $0x0  }
0x39: {  	s31 =	sadd.s32 s18, s9;
	[sflag:s12] =	ssyncadd.s32 $0xFFFFFFB0  }
0x3a: {  	[tilespmem:s13], [sflag:$0x2] =	stream.linear.gather [hbm4b:s31+s4], $0x50, $0x38;
	[tilespmem:$0x16500] =	vst v63  }
0x3b: {  	_ =	swait.ge [sflag:s12], $0x50  }
0x3c: {  	[sflag:s12] =	ssyncset.done $0x0  }
0x3d: {  	[sflag:s12] =	ssyncadd.s32 $0xFFFFFFB0  }
0x3e: {  	[tilespmem:s15], [sflag:$0x1] =	stream.indirect.gather [hbm4b:s1+s14], $0x80, s4, s14, $0xb8;
	[tilespmem:$0x16500] =	vst v63  }
0x3f: {  	_ =	swait.ge [sflag:s16], $0x2800  }
0x40: {  	[sflag:s16] =	ssyncset.done $0x0  }
0x41: {  	[sflag:s16] =	ssyncadd.s32 $0xFFFFD800  }
0x42: {  	[spmem:s3] =	stream.indirect.scatter.add.f32 [tilespmem:s15], [sflag:$0x2], $0x80, s13, s14, $0xb8;
	[tilespmem:$0x16500] =	vst v63  }
0x43: {  	_ =	swait.ge [sflag:s12], $0x2800  }
0x44: {  	s17 =	sadd.s32 $0x1, s17;
	[sflag:s12] =	ssyncset.done $0x0  }
0x45: {  	p0 =	sne.s32 s17, s8;
	[sflag:s12] =	ssyncadd.s32 $0xFFFFD800  }
.Ltmp1:
0x46: {  	[bflag:$0x0] =	sbarrier.arrive $0xFFFF;
	(pc) =	sbr.rel @p0 .LBB2_1-.Ltmp1, $4  }
0x47: {  	[hbm:s7], [sflag:s6] =	dma.local [spmem:s11], $0x2780  }
0x48: {  	_ =	swait.ge [sflag:s12], $0x2780  }
0x49: {  	[sflag:s12] =	ssyncset.done $0x0  }
0x4a: {  	[sflag:s12] =	ssyncadd.s32 $0xFFFFD880  }
0x4b: {  	_ =	sfence.sel $0x180000  }
0x4c: {  	[bflag:$0x0] =	sbarrier.arrive $0xFFFF  }
0x4d: {  	p0 =	sne.s32 s0, $0x0;
	_ =	strace $0x90000047  }
0x4e: {  	s0 =	sadd.s32 @!p0 $0x100000, s2;
	[bflag:$0x2] =	sbarrier.arrive $0xFFFF  }
0x4f: {  	[sflag:s0] =	ssyncadd.tile.s32 @!p0 $0x1;
	_ =	shalt  }
.Lfunc_end2:
_tile_overlayer_lowered:
.L_overlay_start_2:
0x50: {  	(tag) =	ssettag $0x2  }
0x51: {  	s0 =	rddreg [dreg:$0x0];
	s2 =	stileid.u32  }
0x52: {  	s1 =	rddreg [dreg:$0x1];
	p0 =	sne.s32 s2, $0x0  }
0x53: {  	s3 =	rddreg [dreg:$0x2];
	[bflag:$0x3] =	sbarrier.arrive $0xFFFF;
	s2 =	simm.s32 @!p0 $0x1C02  }
0x54: {  	[timem:s3], [sflag:s2] =	dma.local @!p0 [hbm:s0], s1  }
0x55: {  	s0 =	simm.s32 @!p0 $0x2  }
0x56: {  	_ =	swait.ge @!p0 [sflag:s0], s1  }
0x57: {  	s1 =	ssub.s32 @!p0 $0x0, s1;
	[sflag:s0] =	ssyncset.done @!p0 $0x0  }
0x58: {  	[sflag:s0] =	ssyncadd.s32 @!p0 s1  }
0x59: {  	[bflag:$0x3] =	sbarrier.arrive $0xFFFF  }
0x5a: {  	_ =	shalt  }

// kernel: kernel.17.cloned.1.call-start
scs
__scs_entry_jumppad:
0x0: {  	(pc) =	sbr.rel $0x88, $3  }
0x1: {  	(tag) =	ssettag $0x0;
	lr =	simm.s32 $0x1  }
0x2: {  	[smem:$0x3F97] =	sst lr;
	_ =	strace $0xD0000000  }
0x3: {  	_ = 	snop  }
0x4: {  	_ = 	snop  }
0x5: {  	_ = 	snop  }
0x6: {  	_ = 	snop  }
0x7: {  	_ = 	snop  }
__scs_overlays_trampoline_lowered:
0x8: {  	[smem:$0x3FA6] =	sst s0  }
0x9: {  	[smem:$0x3FA7] =	sst s1  }
0xa: {  	[smem:$0x3FA8] =	sst s2  }
0xb: {  	[smem:$0x3FA9] =	sst s3  }
0xc: {  	[smem:$0x3FAA] =	sst s4  }
0xd: {  	[smem:$0x3FAB] =	sst s5  }
0xe: {  	[smem:$0x3FAC] =	sst s6  }
0xf: {  	[smem:$0x3FAD] =	sst s7  }
0x10: {  	[smem:$0x3FAE] =	sst s8  }
0x11: {  	[smem:$0x3FAF] =	sst s9;
	s0 =	simm.s32 @!p0 $0x0  }
0x12: {  	s1 =	sld [smem:$0x3F95];
	s0 =	simm.s32 @p0 $0x1  }
0x13: {  	[smem:$0x3FB0] =	sst s0;
	s0 =	simm.s32 @!p1 $0x0  }
0x14: {  	s2 =	sld [smem:$0x3F94];
	s0 =	simm.s32 @p1 $0x1  }
0x15: {  	[smem:$0x3FB1] =	sst s0;
	s0 =	simm.s32 @!p2 $0x0  }
0x16: {  	s3 =	sld [smem:$0x3FDB];
	s0 =	simm.s32 @p2 $0x1  }
0x17: {  	s4 =	simm.s32 $0x1BF5;
	[smem:$0x3FB3] =	sst s0  }
0x18: {  	s0 =	sld [smem:$0x3F96];
	_ =	swait.ge [sflag:s4], $0x0  }
0x19: {  	s7 =	sld [smem:$0x3F97]  }
0x1a: {  	s8 =	sadd.s32 $0xFFFFE003, lr  }
0x1b: {  	s9 =	sadd.s32 $0xFFFFFEF7, lr;
	s5 =	simm.s32 $0xFFFFFFFF;
	p2 =	slt.u32 s8, $0xFFFFF086  }
0x1c: {  	p1 =	slt.u32 s9, $0xF7A;
	s5 =	simm.s32 @!p2 $0x0  }
0x1d: {  	s5 =	simm.s32 @p1 $0x1;
	p0 =	seq.s32 s7, s2  }
0x1e: {  	s7 =	smul.u32 @!p0 $0xF7A, s2;
	p2 =	seq.s32 @!p0 s5, $0x0  }
0x1f: {  	s9 =	smul.u32 $0xF7A, s1;
	s8 =	simm.s32 @!p0 $0x1BF5;
	p2 =	por !p2, p0  }
0x20: {  	[sflag:s8] =	ssyncset.s32 @!p0 $0xFFFFF086;
	s6 =	sadd.s32 @!p0 s3, s7;
	s7 =	simm.s32 @!p0 $0x108  }
0x21: {  	s3 =	sadd.s32 s3, s9;
	s6 =	sadd.s32 @!p0 $0x88, s6;
	s7 =	simm.s32 @p2 $0x1082  }
0x22: {  	[simem:s7], [sflag:s8] =	dma.local @!p0 [hbm:s6], $0xF7A  }
0x23: {  	s9 =	sor.u32 $0xD0000000, s2;
	s6 =	simm.s32 $0x108;
	_ =	swait.ge @!p0 [sflag:s8], $0x0  }
0x24: {  	s3 =	sadd.s32 $0x88, s3;
	s6 =	simm.s32 @!p1 $0x1082;
	[sflag:s4] =	ssyncset.s32 $0xFFFFF086  }
0x25: {  	[simem:s6], [sflag:s4] =	dma.local [hbm:s3], $0xF7A  }
0x26: {  	[smem:$0x3F97] =	sst s1;
	(tag) =	ssettag s2;
	_ =	strace s9  }
0x27: {  	s1 =	sld [smem:$0x3FA7]  }
0x28: {  	s2 =	sld [smem:$0x3FA8]  }
0x29: {  	s4 =	sld [smem:$0x3FAA]  }
0x2a: {  	p0 =	seq.s32 s5, $0x0;
	s5 =	sld [smem:$0x3FAB]  }
0x2b: {  	s6 =	sld [smem:$0x3FAC]  }
0x2c: {  	s7 =	sld [smem:$0x3FAD]  }
0x2d: {  	s3 =	simm.s32 $0x108;
	s8 =	sld [smem:$0x3FAE]  }
0x2e: {  	s3 =	simm.s32 @!p0 $0x1082;
	s9 =	sld [smem:$0x3FAF]  }
0x2f: {  	lr =	sadd.s32 s0, s3;
	s0 =	sld [smem:$0x3FA6]  }
0x30: {  	s3 =	sld [smem:$0x3FA9]  }
0x31: {  	[smem:$0x3FB2] =	sst s10  }
0x32: {  	s10 =	sld [smem:$0x3FB0];
	_ =	sdelay $0x3  }
0x33: {  	p0 =	seq.s32 s10, $0x1;
	s10 =	sld [smem:$0x3FB2];
	_ =	sdelay $0x3  }
0x34: {  	[smem:$0x3FB2] =	sst s10  }
0x35: {  	s10 =	sld [smem:$0x3FB1];
	_ =	sdelay $0x3  }
0x36: {  	p1 =	seq.s32 s10, $0x1;
	s10 =	sld [smem:$0x3FB2];
	_ =	sdelay $0x3  }
0x37: {  	[smem:$0x3FB2] =	sst s10  }
0x38: {  	s10 =	sld [smem:$0x3FB3]  }
0x39: {  	_ = 	snop;
	(pc) =	sbr.ind lr, $3  }
0x3a: {  	_ = 	snop  }
0x3b: {  	_ = 	snop  }
0x3c: {  	p2 =	seq.s32 s10, $0x1;
	s10 =	sld [smem:$0x3FB2]  }
0x3d: {  	_ =	shalt  }
0x3e: {  	_ =	shalt  }
0x3f: {  	_ =	shalt  }
0x40: {  	_ =	shalt  }
0x41: {  	_ =	shalt  }
0x42: {  	_ =	shalt  }
0x43: {  	_ =	shalt  }
0x44: {  	_ =	shalt  }
0x45: {  	_ =	shalt  }
0x46: {  	_ =	shalt  }
0x47: {  	_ =	shalt  }
0x48: {  	_ =	shalt  }
0x49: {  	_ =	shalt  }
0x4a: {  	_ =	shalt  }
0x4b: {  	_ =	shalt  }
0x4c: {  	_ =	shalt  }
0x4d: {  	_ =	shalt  }
0x4e: {  	_ =	shalt  }
0x4f: {  	_ =	shalt  }
0x50: {  	_ =	shalt  }
0x51: {  	_ =	shalt  }
0x52: {  	_ =	shalt  }
0x53: {  	_ =	shalt  }
0x54: {  	_ =	shalt  }
0x55: {  	_ =	shalt  }
0x56: {  	_ =	shalt  }
0x57: {  	_ =	shalt  }
0x58: {  	_ =	shalt  }
0x59: {  	_ =	shalt  }
0x5a: {  	_ =	shalt  }
0x5b: {  	_ =	shalt  }
0x5c: {  	_ =	shalt  }
0x5d: {  	_ =	shalt  }
0x5e: {  	_ =	shalt  }
0x5f: {  	_ =	shalt  }
0x60: {  	_ =	shalt  }
0x61: {  	_ =	shalt  }
0x62: {  	_ =	shalt  }
0x63: {  	_ =	shalt  }
0x64: {  	_ =	shalt  }
0x65: {  	_ =	shalt  }
0x66: {  	_ =	shalt  }
0x67: {  	_ =	shalt  }
0x68: {  	_ =	shalt  }
0x69: {  	_ =	shalt  }
0x6a: {  	_ =	shalt  }
0x6b: {  	_ =	shalt  }
0x6c: {  	_ =	shalt  }
0x6d: {  	_ =	shalt  }
0x6e: {  	_ =	shalt  }
0x6f: {  	_ =	shalt  }
0x70: {  	_ =	shalt  }
0x71: {  	_ =	shalt  }
0x72: {  	_ =	shalt  }
0x73: {  	_ =	shalt  }
0x74: {  	_ =	shalt  }
0x75: {  	_ =	shalt  }
0x76: {  	_ =	shalt  }
0x77: {  	_ =	shalt  }
0x78: {  	_ =	shalt  }
0x79: {  	_ =	shalt  }
0x7a: {  	_ =	shalt  }
0x7b: {  	_ =	shalt  }
0x7c: {  	_ =	shalt  }
0x7d: {  	_ =	shalt  }
0x7e: {  	_ =	shalt  }
0x7f: {  	_ =	shalt  }
0x80: {  	_ =	shalt  }
0x81: {  	_ =	shalt  }
0x82: {  	_ =	shalt  }
0x83: {  	_ =	shalt  }
0x84: {  	_ =	shalt  }
0x85: {  	_ =	shalt  }
0x86: {  	_ =	shalt  }
0x87: {  	_ =	shalt  }
.Lfunc_end0:
.L_simem_size_0:
called_computation.2_lowered:
.L_overlay_start_0:
0x88: {  	s2 =	sld [smem:$0x3FD9]  }
0x89: {  	s3 =	sld [smem:$0x3FFE];
	_ =	sdelay $0x1  }
0x8a: {  	s1 =	srdreg.scid  }
0x8b: {  	s0 =	sand.u32 $0x1, s1  }
0x8c: {  	s14 =	sshll.u32 s0, $0xA;
	s2 =	sadd.s32 s3, s2  }
0x8d: {  	s2 =	sadd.s32 s2, s14  }
0x8e: {  	[smem:$0x3FBE] =	sst s2  }
0x8f: {  	_ = 	snop  }
0x90: {  	s2 =	sld [smem:$0x3FD0];
	_ =	sdelay $0x2  }
0x91: {  	s15 =	simm.s32 $0xB;
	s4 =	simm.s32 $0x10  }
0x92: {  	[smem:s4], [sflag:s15] =	dma.local [hbm:s2], $0x1  }
0x93: {  	_ =	swait.eq [sflag:s15], $0x1  }
0x94: {  	[sflag:s15] =	ssyncset.done $0x0  }
0x95: {  	[sflag:s15] =	ssyncadd.s32 $0xFFFFFFFF  }
0x96: {  	s16 =	sld [smem:$0x10];
	(tm) =	ssettm $0x1  }
0x97: {  	s17 =	sld [smem:$0x3FFB];
	_ =	sdelay $0x3  }
0x98: {  	_ =	strace s17  }
0x99: {  	s3 =	sld [smem:$0x3FFC];
	_ =	sdelay $0x3  }
0x9a: {  	_ =	strace s3  }
0x9b: {  	s3 =	sld [smem:$0x3FFD];
	_ =	sdelay $0x3  }
0x9c: {  	_ =	strace s3  }
0x9d: {  	_ =	strace $0x8FFFFFFF  }
0x9e: {  	s18 =	sld [smem:$0x3FDB];
	_ =	sdelay $0x1  }
0x9f: {  	s19 =	simm.s32 $_scs_section_size  }
0xa0: {  	s5 =	simm.s32 $_size__tile_overlayer_lowered;
	s6 =	simm.s32 $_tile_overlayer_lowered  }
0xa1: {  	s22 =	simm.s32 $0x1BFF;
	s21 =	sshll.u32 s6, $0x1;
	s3 =	sadd.s32 s19, s18  }
0xa2: {  	s7 =	simm.s32 $0x0;
	s20 =	sshll.u32 s5, $0x1;
	s5 =	sadd.s32 s21, s3  }
0xa3: {  	[timem:s7], [sflag:s22] =	dma.local [hbm:s5], s20  }
0xa4: {  	_ =	swait.ge [sflag:s22], s20  }
0xa5: {  	s4 =	ssub.s32 $0x0, s20;
	[sflag:s22] =	ssyncset.done $0x0  }
0xa6: {  	[sflag:s22] =	ssyncadd.s32 s4;
	_ =	sdelay $0x1  }
0xa7: {  	s23 =	simm.s32 $0x1B8B  }
0xa8: {  	_ =	swait.ge [sflag:s23], $0x1  }
0xa9: {  	[sflag:s23] =	ssyncset.done $0x0  }
0xaa: {  	s25 =	simm.s32 $0x1B8E;
	s24 =	sld [smem:$0x3FFE];
	[sflag:s23] =	ssyncadd.s32 $0xFFFFFFFF  }
0xab: {  	s26 =	simm.s32 $execute0_lowered;
	[smem:$0x3FD2] =	sst s25  }
0xac: {  	s5 =	sshll.u32 s26, $0x1;
	_ =	strace $0x8000004C;
	[dreg:$0x1] =	wrdreg $0xFFFFFFFF  }
0xad: {  	s28 =	simm.s32 $_size_execute0_lowered;
	s3 =	sadd.s32 s3, s5;
	[dreg:$0x0] =	wrdreg $0x0  }
0xae: {  	s5 =	sshll.u32 s28, $0x1;
	[dreg:$0x2] =	wrdreg s3  }
0xaf: {  	[dreg:$0x3] =	wrdreg s5  }
0xb0: {  	[dreg:$0x4] =	wrdreg $0xC0  }
0xb1: {  	_ =	task [dreg:s7], $0x5FFFF  }
0xb2: {  	[dreg:$0x1] =	wrdreg $0xFFFFFFFF  }
0xb3: {  	[dreg:$0x0] =	wrdreg $0x60  }
0xb4: {  	[dreg:$0x2] =	wrdreg s16  }
0xb5: {  	[dreg:$0x3] =	wrdreg s24  }
0xb6: {  	[dreg:$0x4] =	wrdreg $0x29000  }
0xb7: {  	[dreg:$0x5] =	wrdreg $0x9  }
0xb8: {  	_ =	task.clear_ibuf [dreg:s7], $0x6FFFF;
	_ =	strace $0x9000004C  }
0xb9: {  	s29 =	simm.s32 $0x9;
	_ =	strace $0x8000004E  }
0xba: {  	_ =	swait.ge [sflag:s29], $0x1  }
0xbb: {  	[sflag:s29] =	ssyncadd.s32 $0xFFFFFFFF  }
0xbc: {  	_ =	strace $0x9000004E  }
0xbd: {  	_ =	sfence  }
0xbe: {  	s30 =	sld [smem:$0x0];
	_ =	sdelay $0x2  }
0xbf: {  	s31 =	sshll.u32 s1, $0xD;
	s1 =	sshrl.u32 s1, $0x2  }
0xc0: {  	s3 =	sand.u32 $0x4000, s31;
	s1 =	sadd.s32 s1, s30  }
0xc1: {  	s0 =	sor.u32 s3, s0;
	s1 =	sshll.u32 s1, $0x11  }
0xc2: {  	s0 =	sor.u32 s1, s0  }
0xc3: {  	s0 =	sadd.s32 $0x8F2B, s0  }
0xc4: {  	[sflag:s0] =	ssyncadd.remote.s32 $0x1  }
0xc5: {  	_ =	sfence.sel $0xFFFF  }
0xc6: {  	[dreg:$0x0] =	wrdreg $0xFFFFFFFF;
	(pc) =	sbr.abs _section_cstart, $3  }
0xc7: {  	[dreg:$0x1] =	wrdreg $0xFFFFFFFF  }
0xc8: {  	_ =	task.clear_ibuf [dreg:s7], $0x2FFFF;
	_ =	strace $0x9FFFFFFF  }
0xc9: {  	(tm) =	ssettm $0x7FFFFFFF  }
tec
execute0_lowered:
.L_overlay_start_1:
0x0: {  	(tag) =	ssettag $0x1  }
0x1: {  	s1 =	rddreg [dreg:$0x0]  }
0x2: {  	s2 =	srdreg.scid;
	s5 =	rddreg [dreg:$0x1]  }
0x3: {  	s0 =	stileid.u32;
	s3 =	rddreg [dreg:$0x2];
	s4 =	simm.s32 $0x0  }
0x4: {  	s13 =	simm.s32 $0x80;
	s14 =	simm.s32 $0x50;
	s7 =	smul.u32 $0x4E20, s0  }
0x5: {  	s15 =	simm.s32 $0x100;
	s16 =	simm.s32 $0x1;
	s26 =	smul.u32 $0x13C00, s0  }
0x6: {  	s6 =	sand.u32 $0x1, s2;
	s2 =	rddreg [dreg:$0x3];
	s29 =	smul.u32 $0x4F000, s0  }
0x7: {  	s17 =	simm.s32 $0x0;
	[smem:$0x7FF] =	sst s4;
	s8 =	smul.u32 $0x2710, s6  }
0x8: {  	s31 =	sshll.u32 s0, $0x6;
	s9 =	smul.u32 $0x13C000, s6;
	s6 =	ssub.s32 $0x2, s6  }
0x9: {  	_ =	strace $0x8000004D;
	s28 =	sshrl.u32 s26, $0x3;
	s11 =	sshrl.u32 s6, $0x1  }
0xa: {  	s30 =	sshrl.u32 s29, $0x2;
	s7 =	sadd.s32 s8, s7;
	s8 =	sadd.s32 s26, s9  }
0xb: {  	s11 =	ssub.s32 s6, s11;
	s12 =	sadd.s32 s30, s3;
	s7 =	sshrl.u32 s7, $0x3  }
0xc: {  	s8 =	sshrl.u32 s8, $0x3;
	s10 =	sadd.s32 s7, s5;
	s7 =	sadd.s32 s28, s5  }
0xd: {  	s6 =	sor.u32 $0x1C02, s31;
	s8 =	sadd.s32 s8, s5;
	s5 =	sadd.s32 $0x16200, s7  }
0xe: {  	s7 =	sadd.s32 $0x3DA00, s8;
	s8 =	smax.u32 s11, $0x1;
	s9 =	sadd.s32 $0x2600, s10  }
0xf: {  	s10 =	sadd.s32 $0xC400, s10;
	s11 =	sshrl.u32 s12, $0x3;
	s12 =	simm.s32 $0x2  }
.LBB2_1:
0x10: {  	[spmem:s11], [sflag:s6] =	dma.local [hbm:s5], $0x2780  }
0x11: {  	_ =	swait.ge [sflag:s12], $0x2780  }
0x12: {  	[sflag:s12] =	ssyncset.done $0x0  }
0x13: {  	[sflag:s12] =	ssyncadd.s32 $0xFFFFD880  }
0x14: {  	s18 =	sadd.s32 $0x0, s10;
	[bflag:$0x0] =	sbarrier.arrive $0xFFFF  }
0x15: {  	[tilespmem:s4], [sflag:$0x2] =	stream.linear.gather [hbm4b:s18+s4], $0x50, $0x38;
	[tilespmem:$0x16500] =	vst v63  }
0x16: {  	_ =	swait.ge [sflag:s12], $0x50  }
0x17: {  	[sflag:s12] =	ssyncset.done $0x0  }
0x18: {  	s31 =	sadd.s32 $0x0, s9;
	[sflag:s12] =	ssyncadd.s32 $0xFFFFFFB0  }
0x19: {  	[tilespmem:s13], [sflag:$0x2] =	stream.linear.gather [hbm4b:s31+s4], $0x50, $0x38;
	[tilespmem:$0x16500] =	vst v63  }
0x1a: {  	_ =	swait.ge [sflag:s12], $0x50  }
0x1b: {  	[sflag:s12] =	ssyncset.done $0x0  }
0x1c: {  	[sflag:s12] =	ssyncadd.s32 $0xFFFFFFB0  }
0x1d: {  	[tilespmem:s15], [sflag:$0x1] =	stream.indirect.gather [hbm4b:s1+s14], $0x80, s4, s14, $0xb8;
	[tilespmem:$0x16500] =	vst v63  }
0x1e: {  	_ =	swait.ge [sflag:s16], $0x2800  }
0x1f: {  	[sflag:s16] =	ssyncset.done $0x0  }
0x20: {  	[sflag:s16] =	ssyncadd.s32 $0xFFFFD800  }
0x21: {  	[spmem:s3] =	stream.indirect.scatter.add.f32 [tilespmem:s15], [sflag:$0x2], $0x80, s13, s14, $0xb8;
	[tilespmem:$0x16500] =	vst v63  }
0x22: {  	_ =	swait.ge [sflag:s12], $0x2800  }
0x23: {  	s19 =	simm.s32 $0x14;
	s18 =	simm.s32 $0xA;
	[sflag:s12] =	ssyncset.done $0x0  }
.LBB2_2:
0x24: {  	s20 =	sadd.s32 s18, s10  }
0x25: {  	[sflag:s12] =	ssyncadd.s32 $0xFFFFD800;
	s21 =	smov.u32 s19;
	s22 =	sadd.s32 $0xA, s19  }
0x26: {  	[tilespmem:s4], [sflag:$0x2] =	stream.linear.gather [hbm4b:s20+s4], $0x50, $0x38;
	[tilespmem:$0x16500] =	vst v63  }
0x27: {  	p0 =	sne.s32 s19, $0x4D8;
	_ =	swait.ge [sflag:s12], $0x50  }
0x28: {  	[sflag:s12] =	ssyncset.done $0x0  }
0x29: {  	s19 =	sadd.s32 s18, s9;
	s18 =	smov.u32 s21;
	[sflag:s12] =	ssyncadd.s32 $0xFFFFFFB0  }
0x2a: {  	[tilespmem:s13], [sflag:$0x2] =	stream.linear.gather [hbm4b:s19+s4], $0x50, $0x38;
	[tilespmem:$0x16500] =	vst v63  }
0x2b: {  	_ =	swait.ge [sflag:s12], $0x50  }
0x2c: {  	[sflag:s12] =	ssyncset.done $0x0  }
0x2d: {  	[sflag:s12] =	ssyncadd.s32 $0xFFFFFFB0  }
0x2e: {  	[tilespmem:s15], [sflag:$0x1] =	stream.indirect.gather [hbm4b:s1+s14], $0x80, s4, s14, $0xb8;
	[tilespmem:$0x16500] =	vst v63  }
0x2f: {  	_ =	swait.ge [sflag:s16], $0x2800  }
.Ltmp0:
0x30: {  	[sflag:s16] =	ssyncset.done $0x0;
	(pc) =	sbr.rel @p0 .LBB2_2-.Ltmp0, $4  }
0x31: {  	[sflag:s16] =	ssyncadd.s32 $0xFFFFD800  }
0x32: {  	[spmem:s3] =	stream.indirect.scatter.add.f32 [tilespmem:s15], [sflag:$0x2], $0x80, s13, s14, $0xb8;
	[tilespmem:$0x16500] =	vst v63  }
0x33: {  	_ =	swait.ge [sflag:s12], $0x2800  }
0x34: {  	s19 =	smov.u32 s22;
	[sflag:s12] =	ssyncset.done $0x0  }
0x35: {  	s19 =	sadd.s32 s18, s10;
	[sflag:s12] =	ssyncadd.s32 $0xFFFFD800  }
0x36: {  	[tilespmem:s4], [sflag:$0x2] =	stream.linear.gather [hbm4b:s19+s4], $0x50, $0x38;
	[tilespmem:$0x16500] =	vst v63  }
0x37: {  	_ =	swait.ge [sflag:s12], $0x50  }
0x38: {  	[sflag:s12] =	ssyncset.done $0x0  }
0x39: {  	s31 =	sadd.s32 s18, s9;
	[sflag:s12] =	ssyncadd.s32 $0xFFFFFFB0  }
0x3a: {  	[tilespmem:s13], [sflag:$0x2] =	stream.linear.gather [hbm4b:s31+s4], $0x50, $0x38;
	[tilespmem:$0x16500] =	vst v63  }
0x3b: {  	_ =	swait.ge [sflag:s12], $0x50  }
0x3c: {  	[sflag:s12] =	ssyncset.done $0x0  }
0x3d: {  	[sflag:s12] =	ssyncadd.s32 $0xFFFFFFB0  }
0x3e: {  	[tilespmem:s15], [sflag:$0x1] =	stream.indirect.gather [hbm4b:s1+s14], $0x80, s4, s14, $0xb8;
	[tilespmem:$0x16500] =	vst v63  }
0x3f: {  	_ =	swait.ge [sflag:s16], $0x2800  }
0x40: {  	[sflag:s16] =	ssyncset.done $0x0  }
0x41: {  	[sflag:s16] =	ssyncadd.s32 $0xFFFFD800  }
0x42: {  	[spmem:s3] =	stream.indirect.scatter.add.f32 [tilespmem:s15], [sflag:$0x2], $0x80, s13, s14, $0xb8;
	[tilespmem:$0x16500] =	vst v63  }
0x43: {  	_ =	swait.ge [sflag:s12], $0x2800  }
0x44: {  	s17 =	sadd.s32 $0x1, s17;
	[sflag:s12] =	ssyncset.done $0x0  }
0x45: {  	p0 =	sne.s32 s17, s8;
	[sflag:s12] =	ssyncadd.s32 $0xFFFFD800  }
.Ltmp1:
0x46: {  	[bflag:$0x0] =	sbarrier.arrive $0xFFFF;
	(pc) =	sbr.rel @p0 .LBB2_1-.Ltmp1, $4  }
0x47: {  	[hbm:s7], [sflag:s6] =	dma.local [spmem:s11], $0x2780  }
0x48: {  	_ =	swait.ge [sflag:s12], $0x2780  }
0x49: {  	[sflag:s12] =	ssyncset.done $0x0  }
0x4a: {  	[sflag:s12] =	ssyncadd.s32 $0xFFFFD880  }
0x4b: {  	_ =	sfence.sel $0x180000  }
0x4c: {  	[bflag:$0x0] =	sbarrier.arrive $0xFFFF  }
0x4d: {  	p0 =	sne.s32 s0, $0x0;
	_ =	strace $0x9000004D  }
0x4e: {  	s0 =	sadd.s32 @!p0 $0x100000, s2;
	[bflag:$0x2] =	sbarrier.arrive $0xFFFF  }
0x4f: {  	[sflag:s0] =	ssyncadd.tile.s32 @!p0 $0x1;
	_ =	shalt  }
.Lfunc_end2:
_tile_overlayer_lowered:
.L_overlay_start_2:
0x50: {  	(tag) =	ssettag $0x2  }
0x51: {  	s0 =	rddreg [dreg:$0x0];
	s2 =	stileid.u32  }
0x52: {  	s1 =	rddreg [dreg:$0x1];
	p0 =	sne.s32 s2, $0x0  }
0x53: {  	s3 =	rddreg [dreg:$0x2];
	[bflag:$0x3] =	sbarrier.arrive $0xFFFF;
	s2 =	simm.s32 @!p0 $0x1C02  }
0x54: {  	[timem:s3], [sflag:s2] =	dma.local @!p0 [hbm:s0], s1  }
0x55: {  	s0 =	simm.s32 @!p0 $0x2  }
0x56: {  	_ =	swait.ge @!p0 [sflag:s0], s1  }
0x57: {  	s1 =	ssub.s32 @!p0 $0x0, s1;
	[sflag:s0] =	ssyncset.done @!p0 $0x0  }
0x58: {  	[sflag:s0] =	ssyncadd.s32 @!p0 s1  }
0x59: {  	[bflag:$0x3] =	sbarrier.arrive $0xFFFF  }
0x5a: {  	_ =	shalt  }

</sc_bundles>
